<compile_context>
chip_gen: v7x
topology: tpu7x:2x2x1
jax: 0.10.2.dev20260603
libtpu: 0.0.44.dev20260713+nightly
codegen_flags: <defaults>
</compile_context>

<pallas_src>
import jax
import jax.numpy as jnp
from jax.experimental import pallas as pl
from jax.experimental.pallas import tpu as pltpu
from jax.experimental.pallas import tpu_sc as plsc

N = 10000
E = 320000
D = 128
H = 64
C = 16
THRESH = 0.5

NC = 2
NS = 16
LANES = 16
NW = NC * NS
PK = 128
EPW_A = 10112
EPW_L = E - (NW - 1) * EPW_A
GR = 10112
DUMMY = N
RPS = GR // NS
PADW = 4 * PK + 2 * LANES
PADB = EPW_A + PADW

_mesh = plsc.VectorSubcoreMesh(core_axis_name="c", subcore_axis_name="s")
_params = pltpu.CompilerParams(use_tc_tiling_on_sc=False,
                               needs_layout_passes=False)


def _sc_compact(mask, hv, vv, hor, ver, ni):

    @pl.kernel(
        out_type=(
            jax.ShapeDtypeStruct((E,), jnp.float32),
            jax.ShapeDtypeStruct((E,), jnp.float32),
            jax.ShapeDtypeStruct((NW * PADB,), jnp.int32),
            jax.ShapeDtypeStruct((NW * PADB,), jnp.int32),
            jax.ShapeDtypeStruct((NW * PADB,), jnp.int32),
            jax.ShapeDtypeStruct((NW * 32,), jnp.int32),
        ),
        mesh=_mesh,
        scratch_types=[
            pltpu.VMEM((EPW_A,), jnp.float32),
            pltpu.VMEM((EPW_A,), jnp.float32),
            pltpu.VMEM((EPW_A,), jnp.float32),
            pltpu.VMEM((2, EPW_A), jnp.int32),
            pltpu.VMEM((2, EPW_A), jnp.int32),
            pltpu.VMEM((LANES,), jnp.int32),
            pltpu.VMEM((PADB,), jnp.int32),
            pltpu.VMEM((PADB,), jnp.int32),
            pltpu.VMEM((PADB,), jnp.int32),
            pltpu.VMEM((32,), jnp.int32),
        ],
        compiler_params=_params,
    )
    def k(mask_h, hv_h, vv_h, hor_h, ver_h, ni_h,
          mh_h, mv_h, gidx_h, sidx_h, hidx_h, cnt_h,
          m_v, hv_v, vv_v, hi_v, vi_v, ni_v,
          gidx_v, sidx_v, hidx_v, cnt_v):
        cid = jax.lax.axis_index("c")
        sid = jax.lax.axis_index("s")
        wid = sid * NC + cid
        base = wid * EPW_A
        last = wid == NW - 1
        epw = jnp.where(last, EPW_L, EPW_A)

        @pl.when(jnp.logical_not(last))
        def _():
            pltpu.sync_copy(mask_h.at[pl.ds(base, EPW_A)], m_v)
            pltpu.sync_copy(hv_h.at[pl.ds(base, EPW_A)], hv_v)
            pltpu.sync_copy(vv_h.at[pl.ds(base, EPW_A)], vv_v)
            pltpu.sync_copy(hor_h.at[pl.ds(0, 2), pl.ds(base, EPW_A)], hi_v)
            pltpu.sync_copy(ver_h.at[pl.ds(0, 2), pl.ds(base, EPW_A)], vi_v)

        @pl.when(last)
        def _():
            pltpu.sync_copy(mask_h.at[pl.ds(base, EPW_L)],
                            m_v.at[pl.ds(0, EPW_L)])
            pltpu.sync_copy(hv_h.at[pl.ds(base, EPW_L)],
                            hv_v.at[pl.ds(0, EPW_L)])
            pltpu.sync_copy(vv_h.at[pl.ds(base, EPW_L)],
                            vv_v.at[pl.ds(0, EPW_L)])
            pltpu.sync_copy(hor_h.at[pl.ds(0, 2), pl.ds(base, EPW_L)],
                            hi_v.at[pl.ds(0, 2), pl.ds(0, EPW_L)])
            pltpu.sync_copy(ver_h.at[pl.ds(0, 2), pl.ds(base, EPW_L)],
                            vi_v.at[pl.ds(0, 2), pl.ds(0, EPW_L)])

        pltpu.sync_copy(ni_h, ni_v)

        niv = ni_v[...]
        zi = jnp.zeros((LANES,), jnp.int32)

        @pl.loop(0, epw // LANES, init_carry=(zi, zi))
        def counts(t, carry):
            vcnt, hcnt = carry
            off = t * LANES
            m = m_v[pl.ds(off, LANES)]
            sig = 1.0 / (1.0 + jnp.exp(-m))
            mh = hv_v[pl.ds(off, LANES)] * sig
            mv = vv_v[pl.ds(off, LANES)] * sig
            hv_v[pl.ds(off, LANES)] = mh
            vv_v[pl.ds(off, LANES)] = mv
            av = mv > THRESH
            vco = vcnt[0]
            plsc.store_compressed(gidx_v.at[pl.ds(vco, LANES)],
                                  vi_v[1, pl.ds(off, LANES)], mask=av)
            plsc.store_compressed(sidx_v.at[pl.ds(vco, LANES)],
                                  vi_v[0, pl.ds(off, LANES)], mask=av)
            ah = (mh > THRESH) & (hi_v[0, pl.ds(off, LANES)] == niv)
            hco = hcnt[0]
            plsc.store_compressed(hidx_v.at[pl.ds(hco, LANES)],
                                  hi_v[1, pl.ds(off, LANES)], mask=ah)
            return (vcnt + plsc.all_reduce_population_count(av),
                    hcnt + plsc.all_reduce_population_count(ah))

        vcnt, hcnt = counts
        vcs = vcnt[0]
        hcs = hcnt[0]

        cnt_v[pl.ds(0, LANES)] = vcnt
        cnt_v[pl.ds(LANES, LANES)] = hcnt

        lane = jax.lax.iota(jnp.int32, LANES)
        dmy = jnp.full((LANES,), DUMMY, jnp.int32)

        @pl.loop(0, PADW // LANES)
        def _(t):
            vo = (vcs // LANES) * LANES + t * LANES
            gl = vo + lane
            gidx_v[pl.ds(vo, LANES)] = jnp.where(
                gl >= vcs, zi, gidx_v[pl.ds(vo, LANES)])
            sidx_v[pl.ds(vo, LANES)] = jnp.where(
                gl >= vcs, dmy, sidx_v[pl.ds(vo, LANES)])

        @pl.loop(0, (PK + 2 * LANES) // LANES)
        def _(t):
            ho = (hcs // LANES) * LANES + t * LANES
            hidx_v[pl.ds(ho, LANES)] = jnp.where(
                ho + lane >= hcs, dmy, hidx_v[pl.ds(ho, LANES)])

        obase = wid * PADB

        @pl.when(jnp.logical_not(last))
        def _():
            pltpu.sync_copy(hv_v, mh_h.at[pl.ds(base, EPW_A)])
            pltpu.sync_copy(vv_v, mv_h.at[pl.ds(base, EPW_A)])

        @pl.when(last)
        def _():
            pltpu.sync_copy(hv_v.at[pl.ds(0, EPW_L)],
                            mh_h.at[pl.ds(base, EPW_L)])
            pltpu.sync_copy(vv_v.at[pl.ds(0, EPW_L)],
                            mv_h.at[pl.ds(base, EPW_L)])

        pltpu.sync_copy(gidx_v, gidx_h.at[pl.ds(obase, PADB)])
        pltpu.sync_copy(sidx_v, sidx_h.at[pl.ds(obase, PADB)])
        pltpu.sync_copy(hidx_v, hidx_h.at[pl.ds(obase, PADB)])
        pltpu.sync_copy(cnt_v, cnt_h.at[pl.ds(wid * 32, 32)])

    return k(mask, hv, vv, hor, ver, ni)


def _sc_scatter(xw1, gidx, sidx, hidx, cnt, zrows, zc, ones):

    @pl.kernel(
        out_type=(
            jax.ShapeDtypeStruct((NC, GR, H), jnp.float32),
            jax.ShapeDtypeStruct((NC * GR,), jnp.float32),
        ),
        mesh=_mesh,
        scratch_types=[
            pltpu.VMEM((PADB,), jnp.int32),
            pltpu.VMEM((PADB,), jnp.int32),
            pltpu.VMEM((PADB,), jnp.int32),
            pltpu.VMEM((32,), jnp.int32),
            pltpu.VMEM((1, PK), jnp.int32),
            pltpu.VMEM((1, PK), jnp.int32),
            pltpu.VMEM((PK, H), jnp.float32),
            pltpu.VMEM((PK,), jnp.float32),
            pltpu.VMEM_SHARED((GR, H), jnp.float32),
            pltpu.VMEM_SHARED((GR,), jnp.float32),
            pltpu.SemaphoreType.DMA,
        ],
        compiler_params=_params,
    )
    def k(xw1_h, gidx_h, sidx_h, hidx_h, cnt_h, zr_h, zc_h, on_h, g_h, c_h,
          gidx_v, sidx_v, hidx_v, cnt_v, s2d, h2d, gbuf, ones_v,
          g_s, c_s, gsem):
        cid = jax.lax.axis_index("c")
        sid = jax.lax.axis_index("s")
        wid = sid * NC + cid
        obase = wid * PADB

        pltpu.sync_copy(cnt_h.at[pl.ds(wid * 32, 32)], cnt_v)
        vcs = cnt_v[pl.ds(0, LANES)][0]
        hcs = cnt_v[pl.ds(LANES, LANES)][0]
        nv = (vcs + (PK - 1)) // PK
        nh = (hcs + (PK - 1)) // PK
        pltpu.sync_copy(gidx_h.at[pl.ds(obase, PADB)], gidx_v)
        pltpu.sync_copy(sidx_h.at[pl.ds(obase, PADB)], sidx_v)
        pltpu.sync_copy(hidx_h.at[pl.ds(obase, PADB)], hidx_v)
        pltpu.sync_copy(on_h, ones_v)

        r0 = sid * RPS
        pltpu.sync_copy(zr_h, g_s.at[pl.ds(r0, RPS)])
        pltpu.sync_copy(zc_h.at[pl.ds(0, RPS)], c_s.at[pl.ds(r0, RPS)])

        plsc.subcore_barrier()

        @pl.loop(0, nv)
        def _(j):
            @pl.loop(0, PK // LANES)
            def _(t):
                s2d[0, pl.ds(t * LANES, LANES)] = (
                    sidx_v[pl.ds(j * PK + t * LANES, LANES)])
            pltpu.async_copy(
                xw1_h.at[gidx_v.at[pl.ds(j * PK, PK)]], gbuf, gsem).wait()
            pltpu.sync_copy(gbuf, g_s.at[s2d.at[0]], add=True)

        @pl.loop(0, nh)
        def _(j):
            @pl.loop(0, PK // LANES)
            def _(t):
                h2d[0, pl.ds(t * LANES, LANES)] = (
                    hidx_v[pl.ds(j * PK + t * LANES, LANES)])
            pltpu.sync_copy(ones_v, c_s.at[h2d.at[0]], add=True)

        plsc.subcore_barrier()

        pltpu.sync_copy(g_s.at[pl.ds(r0, RPS)], g_h.at[cid, pl.ds(r0, RPS)])
        pltpu.sync_copy(c_s.at[pl.ds(r0, RPS)],
                        c_h.at[pl.ds(cid * GR + r0, RPS)])

    return k(xw1, gidx, sidx, hidx, cnt, zrows, zc, ones)


def _tc_matmul(x, w1):
    def body(x_ref, w_ref, o_ref):
        o_ref[...] = jnp.dot(x_ref[...], w_ref[...],
                             preferred_element_type=jnp.float32)

    return pl.pallas_call(
        body,
        out_shape=jax.ShapeDtypeStruct((N, H), jnp.float32),
    )(x, w1)


def _tc_finish(g, c, w2):
    def body(g_ref, c_ref, w2_ref, o_ref):
        gg = jnp.maximum(g_ref[0, :N, :] + g_ref[1, :N, :], 0.0)
        cc = (c_ref[pl.ds(0, N)] + c_ref[pl.ds(GR, N)]).reshape(1, N)
        acc = jnp.dot(cc, gg, preferred_element_type=jnp.float32)
        y = jnp.dot(acc, w2_ref[...], preferred_element_type=jnp.float32)
        m = jnp.max(y, axis=1, keepdims=True)
        e = jnp.exp(y - m)
        o_ref[...] = e / jnp.sum(e, axis=1, keepdims=True)

    return pl.pallas_call(
        body,
        out_shape=jax.ShapeDtypeStruct((1, C), jnp.float32),
    )(g, c, w2)


def kernel(mask, hor_indices, hor_values, ver_indices, ver_values,
           X, W1, W2, node_idx):
    ni = jnp.full((LANES,), node_idx, jnp.int32)
    zrows = jnp.zeros((RPS, H), jnp.float32)
    zc = jnp.zeros((RPS + 8,), jnp.float32)
    ones = jnp.ones((PK,), jnp.float32)

    mh, mv, gidx, sidx, hidx, cnt = _sc_compact(
        mask, hor_values, ver_values, hor_indices, ver_indices, ni)
    xw1 = _tc_matmul(X, W1)
    g, c = _sc_scatter(xw1, gidx, sidx, hidx, cnt, zrows, zc, ones)
    res = _tc_finish(g, c, W2)
    return (res.reshape(C), mh, mv)

# --- scband reference (transcript-rebuilt; emitter-appended) ---
"""Pipeline reference for scband-explain-module-45707041964498 (READ-ONLY COPY).

The authoritative reference and input builder live on the scoring server;
editing this copy changes nothing except your own understanding.
"""

import jax, jax.numpy as jnp
import numpy as np

N = 10000
E = 320000
D = 128
H = 64
C = 16
THRESHOLD = 0.5
NODE_IDX = 123


def setup_inputs(seed: int = 0) -> dict:
    key = jax.random.key(seed)
    ks = jax.random.split(key, 8)
    return {
        "mask": jax.random.normal(ks[0], (E,), dtype=jnp.float32),
        "hor_indices": jax.random.randint(ks[1], (2, E), 0, N, dtype=jnp.int32),
        "hor_values": jax.random.uniform(ks[2], (E,), dtype=jnp.float32),
        "ver_indices": jax.random.randint(ks[3], (2, E), 0, N, dtype=jnp.int32),
        "ver_values": jax.random.uniform(ks[4], (E,), dtype=jnp.float32),
        "X": jax.random.normal(ks[5], (N, D), dtype=jnp.float32),
        "W1": jax.random.normal(ks[6], (D, H), dtype=jnp.float32) * 0.05,
        "W2": jax.random.normal(ks[7], (H, C), dtype=jnp.float32) * 0.05,
        "node_idx": NODE_IDX,
    }


def _spmm(indices, values, dense):
    # sparse [N,N] (COO) @ dense [N,d] via gather + scatter-add (segment_sum)
    rows = indices[0]
    cols = indices[1]
    gathered = jnp.take(dense, cols, axis=0) * values[:, None]
    return jax.ops.segment_sum(gathered, rows, num_segments=N)


def reference(mask, hor_indices, hor_values, ver_indices, ver_values, X, W1, W2, node_idx):
    # _masked_adj_ver / _masked_adj_hor: sigmoid mask applied to sparse values
    # (mask is 1-D so (m + m.t())/2 == m)
    sym_mask = jax.nn.sigmoid(mask)
    masked_ver_vals = ver_values * sym_mask
    masked_hor_vals = hor_values * sym_mask
    # convert_binary(adj, threshold): values > threshold -> 1.0 else 0.0
    bin_ver = (masked_ver_vals > THRESHOLD).astype(jnp.float32)
    bin_hor = (masked_hor_vals > THRESHOLD).astype(jnp.float32)
    # model.forward2(masked_hor, masked_ver): 2-layer message-passing surrogate
    h = jax.nn.relu(_spmm(ver_indices, bin_ver, X @ W1))
    ypred = _spmm(hor_indices, bin_hor, h) @ W2
    node_pred = ypred[node_idx, :]
    res = jax.nn.softmax(node_pred, axis=0)
    return (res, masked_hor_vals, masked_ver_vals)

if __name__ == "__main__":
    import jax
    _d = setup_inputs()
    print(jax.jit(kernel)(*tuple(_d.values())))

</pallas_src>

<mosaic_0001>
#map = affine_map<(d0, d1) -> (0)>
#map1 = affine_map<(d0, d1) -> (0, 0)>
module attributes {stable_mosaic.version = 14 : i64} {
  func.func @k(%arg0: i32, %arg1: i32, %arg2: memref<320000xf32, #tpu.memory_space<hbm>>, %arg3: memref<320000xf32, #tpu.memory_space<hbm>>, %arg4: memref<320000xf32, #tpu.memory_space<hbm>>, %arg5: memref<2x320000xi32, #tpu.memory_space<hbm>>, %arg6: memref<2x320000xi32, #tpu.memory_space<hbm>>, %arg7: memref<16xi32, #tpu.memory_space<hbm>>, %arg8: memref<320000xf32, #tpu.memory_space<hbm>>, %arg9: memref<320000xf32, #tpu.memory_space<hbm>>, %arg10: memref<340992xi32, #tpu.memory_space<hbm>>, %arg11: memref<340992xi32, #tpu.memory_space<hbm>>, %arg12: memref<340992xi32, #tpu.memory_space<hbm>>, %arg13: memref<1024xi32, #tpu.memory_space<hbm>>, %arg14: memref<10112xf32, #tpu.memory_space<vmem>>, %arg15: memref<10112xf32, #tpu.memory_space<vmem>>, %arg16: memref<10112xf32, #tpu.memory_space<vmem>>, %arg17: memref<2x10112xi32, #tpu.memory_space<vmem>>, %arg18: memref<2x10112xi32, #tpu.memory_space<vmem>>, %arg19: memref<16xi32, #tpu.memory_space<vmem>>, %arg20: memref<10656xi32, #tpu.memory_space<vmem>>, %arg21: memref<10656xi32, #tpu.memory_space<vmem>>, %arg22: memref<10656xi32, #tpu.memory_space<vmem>>, %arg23: memref<32xi32, #tpu.memory_space<vmem>>) attributes {dimension_semantics = [#tpu.dimension_semantics<core_parallel>, #tpu.dimension_semantics<subcore_parallel>], iteration_bounds = array<i64: 2, 16>, scalar_prefetch = 0 : i64, scratch_operands = 10 : i64, tpu.core_type = #tpu.core_type<sc_vector_subcore>, window_params = [{transform_indices = #map}, {transform_indices = #map}, {transform_indices = #map}, {transform_indices = #map1}, {transform_indices = #map1}, {transform_indices = #map}, {transform_indices = #map}, {transform_indices = #map}, {transform_indices = #map}, {transform_indices = #map}, {transform_indices = #map}, {transform_indices = #map}]} {
    %mul3A = arith.constant 2 : i32
    %mul3A_0 = arith.muli %arg1, %mul3A : i32
    %add3A = arith.addi %mul3A_0, %arg0 : i32
    %mul3A_1 = arith.constant 10112 : i32
    %mul3A_2 = arith.muli %add3A, %mul3A_1 : i32
    %eq3A = arith.constant 31 : i32
    %eq3A_3 = arith.cmpi eq, %add3A, %eq3A : i32
    %jit3A = arith.constant 6528 : i32
    %jit3A_4 = arith.constant 10112 : i32
    %select_n3A = arith.select %eq3A_3, %jit3A, %jit3A_4 : i32
    %not3A = arith.constant true
    %not3A_5 = arith.xori %eq3A_3, %not3A : i1
    %convert_element_type3A = arith.extui %not3A_5 : i1 to i32
    %cond3A = arith.constant 0 : i32
    %cond3A_6 = arith.cmpi ne, %convert_element_type3A, %cond3A : i32
    scf.if %cond3A_6 {
      "tpu.region"() ({
        %run_scoped3A = tpu.sem_alloc : memref<!tpu.dma_semaphore, #tpu.memory_space<semaphore_mem>>
        %dma_start3A = tpu.memref_slice %arg2[%mul3A_2] : memref<320000xf32, #tpu.memory_space<hbm>> -> memref<10112xf32, #tpu.memory_space<hbm>>
        %dma_start3A_78 = tpu.memref_slice %arg2[%mul3A_2] : memref<320000xf32, #tpu.memory_space<hbm>> -> memref<10112xf32, #tpu.memory_space<hbm>>
        tpu.enqueue_dma source(%dma_start3A_78 : memref<10112xf32, #tpu.memory_space<hbm>>) target(%arg14 : memref<10112xf32, #tpu.memory_space<vmem>>) target_semaphore(%run_scoped3A : memref<!tpu.dma_semaphore, #tpu.memory_space<semaphore_mem>>)
        %dma_wait3A = tpu.memref_slice %arg2[%mul3A_2] : memref<320000xf32, #tpu.memory_space<hbm>> -> memref<10112xf32, #tpu.memory_space<hbm>>
        %dma_wait3A_79 = tpu.memref_slice %arg2[%mul3A_2] : memref<320000xf32, #tpu.memory_space<hbm>> -> memref<10112xf32, #tpu.memory_space<hbm>>
        tpu.wait_dma2 semaphore(%run_scoped3A : memref<!tpu.dma_semaphore, #tpu.memory_space<semaphore_mem>>) src(%dma_wait3A_79 : memref<10112xf32, #tpu.memory_space<hbm>>) dst(%arg14 : memref<10112xf32, #tpu.memory_space<vmem>>)
        tpu.yield
      }) : () -> ()
      "tpu.region"() ({
        %run_scoped3A = tpu.sem_alloc : memref<!tpu.dma_semaphore, #tpu.memory_space<semaphore_mem>>
        %dma_start3A = tpu.memref_slice %arg3[%mul3A_2] : memref<320000xf32, #tpu.memory_space<hbm>> -> memref<10112xf32, #tpu.memory_space<hbm>>
        %dma_start3A_78 = tpu.memref_slice %arg3[%mul3A_2] : memref<320000xf32, #tpu.memory_space<hbm>> -> memref<10112xf32, #tpu.memory_space<hbm>>
        tpu.enqueue_dma source(%dma_start3A_78 : memref<10112xf32, #tpu.memory_space<hbm>>) target(%arg15 : memref<10112xf32, #tpu.memory_space<vmem>>) target_semaphore(%run_scoped3A : memref<!tpu.dma_semaphore, #tpu.memory_space<semaphore_mem>>)
        %dma_wait3A = tpu.memref_slice %arg3[%mul3A_2] : memref<320000xf32, #tpu.memory_space<hbm>> -> memref<10112xf32, #tpu.memory_space<hbm>>
        %dma_wait3A_79 = tpu.memref_slice %arg3[%mul3A_2] : memref<320000xf32, #tpu.memory_space<hbm>> -> memref<10112xf32, #tpu.memory_space<hbm>>
        tpu.wait_dma2 semaphore(%run_scoped3A : memref<!tpu.dma_semaphore, #tpu.memory_space<semaphore_mem>>) src(%dma_wait3A_79 : memref<10112xf32, #tpu.memory_space<hbm>>) dst(%arg15 : memref<10112xf32, #tpu.memory_space<vmem>>)
        tpu.yield
      }) : () -> ()
      "tpu.region"() ({
        %run_scoped3A = tpu.sem_alloc : memref<!tpu.dma_semaphore, #tpu.memory_space<semaphore_mem>>
        %dma_start3A = tpu.memref_slice %arg4[%mul3A_2] : memref<320000xf32, #tpu.memory_space<hbm>> -> memref<10112xf32, #tpu.memory_space<hbm>>
        %dma_start3A_78 = tpu.memref_slice %arg4[%mul3A_2] : memref<320000xf32, #tpu.memory_space<hbm>> -> memref<10112xf32, #tpu.memory_space<hbm>>
        tpu.enqueue_dma source(%dma_start3A_78 : memref<10112xf32, #tpu.memory_space<hbm>>) target(%arg16 : memref<10112xf32, #tpu.memory_space<vmem>>) target_semaphore(%run_scoped3A : memref<!tpu.dma_semaphore, #tpu.memory_space<semaphore_mem>>)
        %dma_wait3A = tpu.memref_slice %arg4[%mul3A_2] : memref<320000xf32, #tpu.memory_space<hbm>> -> memref<10112xf32, #tpu.memory_space<hbm>>
        %dma_wait3A_79 = tpu.memref_slice %arg4[%mul3A_2] : memref<320000xf32, #tpu.memory_space<hbm>> -> memref<10112xf32, #tpu.memory_space<hbm>>
        tpu.wait_dma2 semaphore(%run_scoped3A : memref<!tpu.dma_semaphore, #tpu.memory_space<semaphore_mem>>) src(%dma_wait3A_79 : memref<10112xf32, #tpu.memory_space<hbm>>) dst(%arg16 : memref<10112xf32, #tpu.memory_space<vmem>>)
        tpu.yield
      }) : () -> ()
      "tpu.region"() ({
        %run_scoped3A = tpu.sem_alloc : memref<!tpu.dma_semaphore, #tpu.memory_space<semaphore_mem>>
        %dma_start3A = arith.constant 0 : i32
        %dma_start3A_78 = tpu.memref_slice %arg5[%dma_start3A, %mul3A_2] : memref<2x320000xi32, #tpu.memory_space<hbm>> -> memref<2x10112xi32, #tpu.memory_space<hbm>>
        %dma_start3A_79 = arith.constant 0 : i32
        %dma_start3A_80 = tpu.memref_slice %arg5[%dma_start3A_79, %mul3A_2] : memref<2x320000xi32, #tpu.memory_space<hbm>> -> memref<2x10112xi32, #tpu.memory_space<hbm>>
        tpu.enqueue_dma source(%dma_start3A_80 : memref<2x10112xi32, #tpu.memory_space<hbm>>) target(%arg17 : memref<2x10112xi32, #tpu.memory_space<vmem>>) target_semaphore(%run_scoped3A : memref<!tpu.dma_semaphore, #tpu.memory_space<semaphore_mem>>)
        %dma_wait3A = arith.constant 0 : i32
        %dma_wait3A_81 = tpu.memref_slice %arg5[%dma_wait3A, %mul3A_2] : memref<2x320000xi32, #tpu.memory_space<hbm>> -> memref<2x10112xi32, #tpu.memory_space<hbm>>
        %dma_wait3A_82 = arith.constant 0 : i32
        %dma_wait3A_83 = tpu.memref_slice %arg5[%dma_wait3A_82, %mul3A_2] : memref<2x320000xi32, #tpu.memory_space<hbm>> -> memref<2x10112xi32, #tpu.memory_space<hbm>>
        tpu.wait_dma2 semaphore(%run_scoped3A : memref<!tpu.dma_semaphore, #tpu.memory_space<semaphore_mem>>) src(%dma_wait3A_83 : memref<2x10112xi32, #tpu.memory_space<hbm>>) dst(%arg17 : memref<2x10112xi32, #tpu.memory_space<vmem>>)
        tpu.yield
      }) : () -> ()
      "tpu.region"() ({
        %run_scoped3A = tpu.sem_alloc : memref<!tpu.dma_semaphore, #tpu.memory_space<semaphore_mem>>
        %dma_start3A = arith.constant 0 : i32
        %dma_start3A_78 = tpu.memref_slice %arg6[%dma_start3A, %mul3A_2] : memref<2x320000xi32, #tpu.memory_space<hbm>> -> memref<2x10112xi32, #tpu.memory_space<hbm>>
        %dma_start3A_79 = arith.constant 0 : i32
        %dma_start3A_80 = tpu.memref_slice %arg6[%dma_start3A_79, %mul3A_2] : memref<2x320000xi32, #tpu.memory_space<hbm>> -> memref<2x10112xi32, #tpu.memory_space<hbm>>
        tpu.enqueue_dma source(%dma_start3A_80 : memref<2x10112xi32, #tpu.memory_space<hbm>>) target(%arg18 : memref<2x10112xi32, #tpu.memory_space<vmem>>) target_semaphore(%run_scoped3A : memref<!tpu.dma_semaphore, #tpu.memory_space<semaphore_mem>>)
        %dma_wait3A = arith.constant 0 : i32
        %dma_wait3A_81 = tpu.memref_slice %arg6[%dma_wait3A, %mul3A_2] : memref<2x320000xi32, #tpu.memory_space<hbm>> -> memref<2x10112xi32, #tpu.memory_space<hbm>>
        %dma_wait3A_82 = arith.constant 0 : i32
        %dma_wait3A_83 = tpu.memref_slice %arg6[%dma_wait3A_82, %mul3A_2] : memref<2x320000xi32, #tpu.memory_space<hbm>> -> memref<2x10112xi32, #tpu.memory_space<hbm>>
        tpu.wait_dma2 semaphore(%run_scoped3A : memref<!tpu.dma_semaphore, #tpu.memory_space<semaphore_mem>>) src(%dma_wait3A_83 : memref<2x10112xi32, #tpu.memory_space<hbm>>) dst(%arg18 : memref<2x10112xi32, #tpu.memory_space<vmem>>)
        tpu.yield
      }) : () -> ()
    } else {
    }
    %convert_element_type3A_7 = arith.extui %eq3A_3 : i1 to i32
    %cond3A_8 = arith.constant 0 : i32
    %cond3A_9 = arith.cmpi ne, %convert_element_type3A_7, %cond3A_8 : i32
    scf.if %cond3A_9 {
      "tpu.region"() ({
        %run_scoped3A = tpu.sem_alloc : memref<!tpu.dma_semaphore, #tpu.memory_space<semaphore_mem>>
        %dma_start3A = arith.constant 0 : i32
        %dma_start3A_78 = tpu.memref_slice %arg14[%dma_start3A] : memref<10112xf32, #tpu.memory_space<vmem>> -> memref<6528xf32, #tpu.memory_space<vmem>>
        %dma_start3A_79 = tpu.memref_slice %arg2[%mul3A_2] : memref<320000xf32, #tpu.memory_space<hbm>> -> memref<6528xf32, #tpu.memory_space<hbm>>
        %dma_start3A_80 = arith.constant 0 : i32
        %dma_start3A_81 = tpu.memref_slice %arg14[%dma_start3A_80] : memref<10112xf32, #tpu.memory_space<vmem>> -> memref<6528xf32, #tpu.memory_space<vmem>>
        %dma_start3A_82 = tpu.memref_slice %arg2[%mul3A_2] : memref<320000xf32, #tpu.memory_space<hbm>> -> memref<6528xf32, #tpu.memory_space<hbm>>
        tpu.enqueue_dma source(%dma_start3A_82 : memref<6528xf32, #tpu.memory_space<hbm>>) target(%dma_start3A_81 : memref<6528xf32, #tpu.memory_space<vmem>>) target_semaphore(%run_scoped3A : memref<!tpu.dma_semaphore, #tpu.memory_space<semaphore_mem>>)
        %dma_wait3A = arith.constant 0 : i32
        %dma_wait3A_83 = tpu.memref_slice %arg14[%dma_wait3A] : memref<10112xf32, #tpu.memory_space<vmem>> -> memref<6528xf32, #tpu.memory_space<vmem>>
        %dma_wait3A_84 = tpu.memref_slice %arg2[%mul3A_2] : memref<320000xf32, #tpu.memory_space<hbm>> -> memref<6528xf32, #tpu.memory_space<hbm>>
        %dma_wait3A_85 = arith.constant 0 : i32
        %dma_wait3A_86 = tpu.memref_slice %arg14[%dma_wait3A_85] : memref<10112xf32, #tpu.memory_space<vmem>> -> memref<6528xf32, #tpu.memory_space<vmem>>
        %dma_wait3A_87 = tpu.memref_slice %arg2[%mul3A_2] : memref<320000xf32, #tpu.memory_space<hbm>> -> memref<6528xf32, #tpu.memory_space<hbm>>
        tpu.wait_dma2 semaphore(%run_scoped3A : memref<!tpu.dma_semaphore, #tpu.memory_space<semaphore_mem>>) src(%dma_wait3A_87 : memref<6528xf32, #tpu.memory_space<hbm>>) dst(%dma_wait3A_86 : memref<6528xf32, #tpu.memory_space<vmem>>)
        tpu.yield
      }) : () -> ()
      "tpu.region"() ({
        %run_scoped3A = tpu.sem_alloc : memref<!tpu.dma_semaphore, #tpu.memory_space<semaphore_mem>>
        %dma_start3A = arith.constant 0 : i32
        %dma_start3A_78 = tpu.memref_slice %arg15[%dma_start3A] : memref<10112xf32, #tpu.memory_space<vmem>> -> memref<6528xf32, #tpu.memory_space<vmem>>
        %dma_start3A_79 = tpu.memref_slice %arg3[%mul3A_2] : memref<320000xf32, #tpu.memory_space<hbm>> -> memref<6528xf32, #tpu.memory_space<hbm>>
        %dma_start3A_80 = arith.constant 0 : i32
        %dma_start3A_81 = tpu.memref_slice %arg15[%dma_start3A_80] : memref<10112xf32, #tpu.memory_space<vmem>> -> memref<6528xf32, #tpu.memory_space<vmem>>
        %dma_start3A_82 = tpu.memref_slice %arg3[%mul3A_2] : memref<320000xf32, #tpu.memory_space<hbm>> -> memref<6528xf32, #tpu.memory_space<hbm>>
        tpu.enqueue_dma source(%dma_start3A_82 : memref<6528xf32, #tpu.memory_space<hbm>>) target(%dma_start3A_81 : memref<6528xf32, #tpu.memory_space<vmem>>) target_semaphore(%run_scoped3A : memref<!tpu.dma_semaphore, #tpu.memory_space<semaphore_mem>>)
        %dma_wait3A = arith.constant 0 : i32
        %dma_wait3A_83 = tpu.memref_slice %arg15[%dma_wait3A] : memref<10112xf32, #tpu.memory_space<vmem>> -> memref<6528xf32, #tpu.memory_space<vmem>>
        %dma_wait3A_84 = tpu.memref_slice %arg3[%mul3A_2] : memref<320000xf32, #tpu.memory_space<hbm>> -> memref<6528xf32, #tpu.memory_space<hbm>>
        %dma_wait3A_85 = arith.constant 0 : i32
        %dma_wait3A_86 = tpu.memref_slice %arg15[%dma_wait3A_85] : memref<10112xf32, #tpu.memory_space<vmem>> -> memref<6528xf32, #tpu.memory_space<vmem>>
        %dma_wait3A_87 = tpu.memref_slice %arg3[%mul3A_2] : memref<320000xf32, #tpu.memory_space<hbm>> -> memref<6528xf32, #tpu.memory_space<hbm>>
        tpu.wait_dma2 semaphore(%run_scoped3A : memref<!tpu.dma_semaphore, #tpu.memory_space<semaphore_mem>>) src(%dma_wait3A_87 : memref<6528xf32, #tpu.memory_space<hbm>>) dst(%dma_wait3A_86 : memref<6528xf32, #tpu.memory_space<vmem>>)
        tpu.yield
      }) : () -> ()
      "tpu.region"() ({
        %run_scoped3A = tpu.sem_alloc : memref<!tpu.dma_semaphore, #tpu.memory_space<semaphore_mem>>
        %dma_start3A = arith.constant 0 : i32
        %dma_start3A_78 = tpu.memref_slice %arg16[%dma_start3A] : memref<10112xf32, #tpu.memory_space<vmem>> -> memref<6528xf32, #tpu.memory_space<vmem>>
        %dma_start3A_79 = tpu.memref_slice %arg4[%mul3A_2] : memref<320000xf32, #tpu.memory_space<hbm>> -> memref<6528xf32, #tpu.memory_space<hbm>>
        %dma_start3A_80 = arith.constant 0 : i32
        %dma_start3A_81 = tpu.memref_slice %arg16[%dma_start3A_80] : memref<10112xf32, #tpu.memory_space<vmem>> -> memref<6528xf32, #tpu.memory_space<vmem>>
        %dma_start3A_82 = tpu.memref_slice %arg4[%mul3A_2] : memref<320000xf32, #tpu.memory_space<hbm>> -> memref<6528xf32, #tpu.memory_space<hbm>>
        tpu.enqueue_dma source(%dma_start3A_82 : memref<6528xf32, #tpu.memory_space<hbm>>) target(%dma_start3A_81 : memref<6528xf32, #tpu.memory_space<vmem>>) target_semaphore(%run_scoped3A : memref<!tpu.dma_semaphore, #tpu.memory_space<semaphore_mem>>)
        %dma_wait3A = arith.constant 0 : i32
        %dma_wait3A_83 = tpu.memref_slice %arg16[%dma_wait3A] : memref<10112xf32, #tpu.memory_space<vmem>> -> memref<6528xf32, #tpu.memory_space<vmem>>
        %dma_wait3A_84 = tpu.memref_slice %arg4[%mul3A_2] : memref<320000xf32, #tpu.memory_space<hbm>> -> memref<6528xf32, #tpu.memory_space<hbm>>
        %dma_wait3A_85 = arith.constant 0 : i32
        %dma_wait3A_86 = tpu.memref_slice %arg16[%dma_wait3A_85] : memref<10112xf32, #tpu.memory_space<vmem>> -> memref<6528xf32, #tpu.memory_space<vmem>>
        %dma_wait3A_87 = tpu.memref_slice %arg4[%mul3A_2] : memref<320000xf32, #tpu.memory_space<hbm>> -> memref<6528xf32, #tpu.memory_space<hbm>>
        tpu.wait_dma2 semaphore(%run_scoped3A : memref<!tpu.dma_semaphore, #tpu.memory_space<semaphore_mem>>) src(%dma_wait3A_87 : memref<6528xf32, #tpu.memory_space<hbm>>) dst(%dma_wait3A_86 : memref<6528xf32, #tpu.memory_space<vmem>>)
        tpu.yield
      }) : () -> ()
      "tpu.region"() ({
        %run_scoped3A = tpu.sem_alloc : memref<!tpu.dma_semaphore, #tpu.memory_space<semaphore_mem>>
        %dma_start3A = arith.constant 0 : i32
        %dma_start3A_78 = arith.constant 0 : i32
        %dma_start3A_79 = tpu.memref_slice %arg17[%dma_start3A, %dma_start3A_78] : memref<2x10112xi32, #tpu.memory_space<vmem>> -> memref<2x6528xi32, #tpu.memory_space<vmem>>
        %dma_start3A_80 = arith.constant 0 : i32
        %dma_start3A_81 = tpu.memref_slice %arg5[%dma_start3A_80, %mul3A_2] : memref<2x320000xi32, #tpu.memory_space<hbm>> -> memref<2x6528xi32, #tpu.memory_space<hbm>>
        %dma_start3A_82 = arith.constant 0 : i32
        %dma_start3A_83 = arith.constant 0 : i32
        %dma_start3A_84 = tpu.memref_slice %arg17[%dma_start3A_82, %dma_start3A_83] : memref<2x10112xi32, #tpu.memory_space<vmem>> -> memref<2x6528xi32, #tpu.memory_space<vmem>>
        %dma_start3A_85 = arith.constant 0 : i32
        %dma_start3A_86 = tpu.memref_slice %arg5[%dma_start3A_85, %mul3A_2] : memref<2x320000xi32, #tpu.memory_space<hbm>> -> memref<2x6528xi32, #tpu.memory_space<hbm>>
        tpu.enqueue_dma source(%dma_start3A_86 : memref<2x6528xi32, #tpu.memory_space<hbm>>) target(%dma_start3A_84 : memref<2x6528xi32, #tpu.memory_space<vmem>>) target_semaphore(%run_scoped3A : memref<!tpu.dma_semaphore, #tpu.memory_space<semaphore_mem>>)
        %dma_wait3A = arith.constant 0 : i32
        %dma_wait3A_87 = arith.constant 0 : i32
        %dma_wait3A_88 = tpu.memref_slice %arg17[%dma_wait3A, %dma_wait3A_87] : memref<2x10112xi32, #tpu.memory_space<vmem>> -> memref<2x6528xi32, #tpu.memory_space<vmem>>
        %dma_wait3A_89 = arith.constant 0 : i32
        %dma_wait3A_90 = tpu.memref_slice %arg5[%dma_wait3A_89, %mul3A_2] : memref<2x320000xi32, #tpu.memory_space<hbm>> -> memref<2x6528xi32, #tpu.memory_space<hbm>>
        %dma_wait3A_91 = arith.constant 0 : i32
        %dma_wait3A_92 = arith.constant 0 : i32
        %dma_wait3A_93 = tpu.memref_slice %arg17[%dma_wait3A_91, %dma_wait3A_92] : memref<2x10112xi32, #tpu.memory_space<vmem>> -> memref<2x6528xi32, #tpu.memory_space<vmem>>
        %dma_wait3A_94 = arith.constant 0 : i32
        %dma_wait3A_95 = tpu.memref_slice %arg5[%dma_wait3A_94, %mul3A_2] : memref<2x320000xi32, #tpu.memory_space<hbm>> -> memref<2x6528xi32, #tpu.memory_space<hbm>>
        tpu.wait_dma2 semaphore(%run_scoped3A : memref<!tpu.dma_semaphore, #tpu.memory_space<semaphore_mem>>) src(%dma_wait3A_95 : memref<2x6528xi32, #tpu.memory_space<hbm>>) dst(%dma_wait3A_93 : memref<2x6528xi32, #tpu.memory_space<vmem>>)
        tpu.yield
      }) : () -> ()
      "tpu.region"() ({
        %run_scoped3A = tpu.sem_alloc : memref<!tpu.dma_semaphore, #tpu.memory_space<semaphore_mem>>
        %dma_start3A = arith.constant 0 : i32
        %dma_start3A_78 = arith.constant 0 : i32
        %dma_start3A_79 = tpu.memref_slice %arg18[%dma_start3A, %dma_start3A_78] : memref<2x10112xi32, #tpu.memory_space<vmem>> -> memref<2x6528xi32, #tpu.memory_space<vmem>>
        %dma_start3A_80 = arith.constant 0 : i32
        %dma_start3A_81 = tpu.memref_slice %arg6[%dma_start3A_80, %mul3A_2] : memref<2x320000xi32, #tpu.memory_space<hbm>> -> memref<2x6528xi32, #tpu.memory_space<hbm>>
        %dma_start3A_82 = arith.constant 0 : i32
        %dma_start3A_83 = arith.constant 0 : i32
        %dma_start3A_84 = tpu.memref_slice %arg18[%dma_start3A_82, %dma_start3A_83] : memref<2x10112xi32, #tpu.memory_space<vmem>> -> memref<2x6528xi32, #tpu.memory_space<vmem>>
        %dma_start3A_85 = arith.constant 0 : i32
        %dma_start3A_86 = tpu.memref_slice %arg6[%dma_start3A_85, %mul3A_2] : memref<2x320000xi32, #tpu.memory_space<hbm>> -> memref<2x6528xi32, #tpu.memory_space<hbm>>
        tpu.enqueue_dma source(%dma_start3A_86 : memref<2x6528xi32, #tpu.memory_space<hbm>>) target(%dma_start3A_84 : memref<2x6528xi32, #tpu.memory_space<vmem>>) target_semaphore(%run_scoped3A : memref<!tpu.dma_semaphore, #tpu.memory_space<semaphore_mem>>)
        %dma_wait3A = arith.constant 0 : i32
        %dma_wait3A_87 = arith.constant 0 : i32
        %dma_wait3A_88 = tpu.memref_slice %arg18[%dma_wait3A, %dma_wait3A_87] : memref<2x10112xi32, #tpu.memory_space<vmem>> -> memref<2x6528xi32, #tpu.memory_space<vmem>>
        %dma_wait3A_89 = arith.constant 0 : i32
        %dma_wait3A_90 = tpu.memref_slice %arg6[%dma_wait3A_89, %mul3A_2] : memref<2x320000xi32, #tpu.memory_space<hbm>> -> memref<2x6528xi32, #tpu.memory_space<hbm>>
        %dma_wait3A_91 = arith.constant 0 : i32
        %dma_wait3A_92 = arith.constant 0 : i32
        %dma_wait3A_93 = tpu.memref_slice %arg18[%dma_wait3A_91, %dma_wait3A_92] : memref<2x10112xi32, #tpu.memory_space<vmem>> -> memref<2x6528xi32, #tpu.memory_space<vmem>>
        %dma_wait3A_94 = arith.constant 0 : i32
        %dma_wait3A_95 = tpu.memref_slice %arg6[%dma_wait3A_94, %mul3A_2] : memref<2x320000xi32, #tpu.memory_space<hbm>> -> memref<2x6528xi32, #tpu.memory_space<hbm>>
        tpu.wait_dma2 semaphore(%run_scoped3A : memref<!tpu.dma_semaphore, #tpu.memory_space<semaphore_mem>>) src(%dma_wait3A_95 : memref<2x6528xi32, #tpu.memory_space<hbm>>) dst(%dma_wait3A_93 : memref<2x6528xi32, #tpu.memory_space<vmem>>)
        tpu.yield
      }) : () -> ()
    } else {
    }
    "tpu.region"() ({
      %run_scoped3A = tpu.sem_alloc : memref<!tpu.dma_semaphore, #tpu.memory_space<semaphore_mem>>
      tpu.enqueue_dma source(%arg7 : memref<16xi32, #tpu.memory_space<hbm>>) target(%arg19 : memref<16xi32, #tpu.memory_space<vmem>>) target_semaphore(%run_scoped3A : memref<!tpu.dma_semaphore, #tpu.memory_space<semaphore_mem>>)
      tpu.wait_dma2 semaphore(%run_scoped3A : memref<!tpu.dma_semaphore, #tpu.memory_space<semaphore_mem>>) src(%arg7 : memref<16xi32, #tpu.memory_space<hbm>>) dst(%arg19 : memref<16xi32, #tpu.memory_space<vmem>>)
      tpu.yield
    }) : () -> ()
    %get3A = arith.constant 0 : index
    %get3A_10 = tpu.vector_load %arg19[%get3A] {strides = array<i32>} : memref<16xi32, #tpu.memory_space<vmem>>, vector<16xi32>,
    %broadcast_in_dim3A = arith.constant 0 : i32
    %broadcast_in_dim3A_11 = vector.broadcast %broadcast_in_dim3A : i32 to vector<16xi32>
    %jit3A_12 = arith.constant 16 : i32
    %div3A = arith.divsi %select_n3A, %jit3A_12 : i32
    %sign3A = arith.constant 0 : i32
    %sign3A_13 = arith.cmpi sgt, %select_n3A, %sign3A : i32
    %sign3A_14 = arith.extui %sign3A_13 : i1 to i32
    %sign3A_15 = arith.constant 0 : i32
    %sign3A_16 = arith.cmpi slt, %select_n3A, %sign3A_15 : i32
    %sign3A_17 = arith.extui %sign3A_16 : i1 to i32
    %sign3A_18 = arith.subi %sign3A_14, %sign3A_17 : i32
    %sign3A_19 = arith.constant 0 : i32
    %sign3A_20 = arith.cmpi sgt, %jit3A_12, %sign3A_19 : i32
    %sign3A_21 = arith.extui %sign3A_20 : i1 to i32
    %sign3A_22 = arith.constant 0 : i32
    %sign3A_23 = arith.cmpi slt, %jit3A_12, %sign3A_22 : i32
    %sign3A_24 = arith.extui %sign3A_23 : i1 to i32
    %sign3A_25 = arith.subi %sign3A_21, %sign3A_24 : i32
    %ne3A = arith.cmpi ne, %sign3A_18, %sign3A_25 : i32
    %rem3A = arith.remsi %select_n3A, %jit3A_12 : i32
    %ne3A_26 = arith.constant 0 : i32
    %ne3A_27 = arith.cmpi ne, %rem3A, %ne3A_26 : i32
    %and3A = arith.andi %ne3A, %ne3A_27 : i1
    %sub3A = arith.constant 1 : i32
    %sub3A_28 = arith.subi %div3A, %sub3A : i32
    %select_n3A_29 = arith.select %and3A, %sub3A_28, %div3A : i32
    %sub3A_30 = arith.constant 0 : i32
    %sub3A_31 = arith.subi %select_n3A_29, %sub3A_30 : i32
    %sub3A_32 = arith.constant 1 : i32
    %sub3A_33 = arith.constant 1 : i32
    %sub3A_34 = arith.subi %sub3A_32, %sub3A_33 : i32
    %add3A_35 = arith.addi %sub3A_31, %sub3A_34 : i32
    %div3A_36 = arith.constant 1 : i32
    %div3A_37 = arith.divsi %add3A_35, %div3A_36 : i32
    %while3A = arith.constant 1 : i32
    %while3A_38 = arith.constant 0 : i32
    %while3A_39 = arith.constant 0 : i32
    %while3A_40 = arith.subi %div3A_37, %while3A_39 : i32
    %while3A_41 = arith.addi %while3A_39, %while3A_40 : i32
    %while3A_42 = arith.constant 1 : i32
    %while3A_43 = arith.divsi %while3A_40, %while3A_42 : i32
    %while3A_44 = arith.muli %while3A_43, %while3A_42 : i32
    %while3A_45 = arith.addi %while3A_39, %while3A_44 : i32
    %while3A_46 = arith.constant 1 : i32
    %while3A_47:2 = scf.for %while3A_78 = %while3A_39 to %while3A_45 step %while3A_46 iter_args(%while3A_79 = %broadcast_in_dim3A_11, %while3A_80 = %broadcast_in_dim3A_11) -> (vector<16xi32>, vector<16xi32>)  : i32 {
      %mul3A_81 = arith.muli %while3A_78, %while3A : i32
      %add3A_82 = arith.addi %while3A_38, %mul3A_81 : i32
      %mul3A_83 = arith.constant 16 : i32
      %mul3A_84 = arith.muli %add3A_82, %mul3A_83 : i32
      %get3A_85 = arith.index_cast %mul3A_84 : i32 to index
      %get3A_86 = tpu.vector_load %arg14[%get3A_85] {strides = array<i32>} : memref<10112xf32, #tpu.memory_space<vmem>>, vector<16xf32>,
      %neg3A = arith.constant 0.000000e+00 : f32
      %neg3A_87 = vector.broadcast %neg3A : f32 to vector<16xf32>
      %neg3A_88 = arith.subf %neg3A_87, %get3A_86 : vector<16xf32>
      %exp3A = math.exp %neg3A_88 : vector<16xf32>
      %add3A_89 = arith.constant 1.000000e+00 : f32
      %add3A_90 = vector.broadcast %add3A_89 : f32 to vector<16xf32>
      %add3A_91 = arith.addf %add3A_90, %exp3A : vector<16xf32>
      %div3A_92 = arith.constant 1.000000e+00 : f32
      %div3A_93 = vector.broadcast %div3A_92 : f32 to vector<16xf32>
      %div3A_94 = arith.divf %div3A_93, %add3A_91 : vector<16xf32>
      %get3A_95 = arith.index_cast %mul3A_84 : i32 to index
      %get3A_96 = tpu.vector_load %arg15[%get3A_95] {strides = array<i32>} : memref<10112xf32, #tpu.memory_space<vmem>>, vector<16xf32>,
      %mul3A_97 = arith.mulf %get3A_96, %div3A_94 : vector<16xf32>
      %get3A_98 = arith.index_cast %mul3A_84 : i32 to index
      %get3A_99 = tpu.vector_load %arg16[%get3A_98] {strides = array<i32>} : memref<10112xf32, #tpu.memory_space<vmem>>, vector<16xf32>,
      %mul3A_100 = arith.mulf %get3A_99, %div3A_94 : vector<16xf32>
      %swap3A_101 = arith.index_cast %mul3A_84 : i32 to index
      %swap3A_102 = tpu.vector_load %arg15[%swap3A_101] {strides = array<i32>} : memref<10112xf32, #tpu.memory_space<vmem>>, vector<16xf32>,
      tpu.vector_store %arg15[%swap3A_101], %mul3A_97 {strides = array<i32>} : memref<10112xf32, #tpu.memory_space<vmem>>, vector<16xf32>,
      %swap3A_103 = arith.index_cast %mul3A_84 : i32 to index
      %swap3A_104 = tpu.vector_load %arg16[%swap3A_103] {strides = array<i32>} : memref<10112xf32, #tpu.memory_space<vmem>>, vector<16xf32>,
      tpu.vector_store %arg16[%swap3A_103], %mul3A_100 {strides = array<i32>} : memref<10112xf32, #tpu.memory_space<vmem>>, vector<16xf32>,
      %gt3A = arith.constant 5.000000e-01 : f32
      %gt3A_105 = vector.broadcast %gt3A : f32 to vector<16xf32>
      %gt3A_106 = arith.cmpf ogt, %mul3A_100, %gt3A_105 : vector<16xf32>
      %slice3A_107 = vector.extract_strided_slice %while3A_79 {offsets = [0], sizes = [1], strides = [1]} : vector<16xi32> to vector<1xi32>
      %squeeze3A_108 = vector.extract %slice3A_107[0] : i32 from vector<1xi32>
      %get3A_109 = arith.constant 1 : i32
      %get3A_110 = arith.index_cast %get3A_109 : i32 to index
      %get3A_111 = arith.index_cast %mul3A_84 : i32 to index
      %get3A_112 = tpu.vector_load %arg18[%get3A_110, %get3A_111] {strides = array<i32>} : memref<2x10112xi32, #tpu.memory_space<vmem>>, vector<16xi32>,
      %swap3A_113 = arith.index_cast %squeeze3A_108 : i32 to index
      %swap3A_114 = tpu.vector_load %arg20[%swap3A_113] masked %gt3A_106 {strides = array<i32>} : memref<10656xi32, #tpu.memory_space<vmem>>, vector<16xi32>, vector<16xi1>
      tpu.vector_store %arg20[%swap3A_113], %get3A_112 masked %gt3A_106 {strides = array<i32>} : memref<10656xi32, #tpu.memory_space<vmem>>, vector<16xi32>, vector<16xi1>
      %get3A_115 = arith.constant 0 : i32
      %get3A_116 = arith.index_cast %get3A_115 : i32 to index
      %get3A_117 = arith.index_cast %mul3A_84 : i32 to index
      %get3A_118 = tpu.vector_load %arg18[%get3A_116, %get3A_117] {strides = array<i32>} : memref<2x10112xi32, #tpu.memory_space<vmem>>, vector<16xi32>,
      %swap3A_119 = arith.index_cast %squeeze3A_108 : i32 to index
      %swap3A_120 = tpu.vector_load %arg21[%swap3A_119] masked %gt3A_106 {strides = array<i32>} : memref<10656xi32, #tpu.memory_space<vmem>>, vector<16xi32>, vector<16xi1>
      tpu.vector_store %arg21[%swap3A_119], %get3A_118 masked %gt3A_106 {strides = array<i32>} : memref<10656xi32, #tpu.memory_space<vmem>>, vector<16xi32>, vector<16xi1>
      %gt3A_121 = arith.constant 5.000000e-01 : f32
      %gt3A_122 = vector.broadcast %gt3A_121 : f32 to vector<16xf32>
      %gt3A_123 = arith.cmpf ogt, %mul3A_97, %gt3A_122 : vector<16xf32>
      %get3A_124 = arith.constant 0 : i32
      %get3A_125 = arith.index_cast %get3A_124 : i32 to index
      %get3A_126 = arith.index_cast %mul3A_84 : i32 to index
      %get3A_127 = tpu.vector_load %arg17[%get3A_125, %get3A_126] {strides = array<i32>} : memref<2x10112xi32, #tpu.memory_space<vmem>>, vector<16xi32>,
      %eq3A_128 = arith.cmpi eq, %get3A_127, %get3A_10 : vector<16xi32>
      %and3A_129 = arith.andi %gt3A_123, %eq3A_128 : vector<16xi1>
      %slice3A_130 = vector.extract_strided_slice %while3A_80 {offsets = [0], sizes = [1], strides = [1]} : vector<16xi32> to vector<1xi32>
      %squeeze3A_131 = vector.extract %slice3A_130[0] : i32 from vector<1xi32>
      %get3A_132 = arith.constant 1 : i32
      %get3A_133 = arith.index_cast %get3A_132 : i32 to index
      %get3A_134 = arith.index_cast %mul3A_84 : i32 to index
      %get3A_135 = tpu.vector_load %arg17[%get3A_133, %get3A_134] {strides = array<i32>} : memref<2x10112xi32, #tpu.memory_space<vmem>>, vector<16xi32>,
      %swap3A_136 = arith.index_cast %squeeze3A_131 : i32 to index
      %swap3A_137 = tpu.vector_load %arg22[%swap3A_136] masked %and3A_129 {strides = array<i32>} : memref<10656xi32, #tpu.memory_space<vmem>>, vector<16xi32>, vector<16xi1>
      tpu.vector_store %arg22[%swap3A_136], %get3A_135 masked %and3A_129 {strides = array<i32>} : memref<10656xi32, #tpu.memory_space<vmem>>, vector<16xi32>, vector<16xi1>
      %all_reduce_population_count3A = tpu.all_reduce %gt3A_106 {dim = 0 : i64, kind = #tpu.reduction_kind<sum>} : vector<16xi1> -> vector<16xi32>
      %add3A_138 = arith.addi %while3A_79, %all_reduce_population_count3A : vector<16xi32>
      %all_reduce_population_count3A_139 = tpu.all_reduce %and3A_129 {dim = 0 : i64, kind = #tpu.reduction_kind<sum>} : vector<16xi1> -> vector<16xi32>
      %add3A_140 = arith.addi %while3A_80, %all_reduce_population_count3A_139 : vector<16xi32>
      scf.yield %add3A_138, %add3A_140 : vector<16xi32>, vector<16xi32>
    }
    %while3A_48 = arith.constant 1 : i32
    %while3A_49:2 = scf.for %while3A_78 = %while3A_45 to %while3A_41 step %while3A_48 iter_args(%while3A_79 = %while3A_47#0, %while3A_80 = %while3A_47#1) -> (vector<16xi32>, vector<16xi32>)  : i32 {
      %mul3A_81 = arith.muli %while3A_78, %while3A : i32
      %add3A_82 = arith.addi %while3A_38, %mul3A_81 : i32
      %mul3A_83 = arith.constant 16 : i32
      %mul3A_84 = arith.muli %add3A_82, %mul3A_83 : i32
      %get3A_85 = arith.index_cast %mul3A_84 : i32 to index
      %get3A_86 = tpu.vector_load %arg14[%get3A_85] {strides = array<i32>} : memref<10112xf32, #tpu.memory_space<vmem>>, vector<16xf32>,
      %neg3A = arith.constant 0.000000e+00 : f32
      %neg3A_87 = vector.broadcast %neg3A : f32 to vector<16xf32>
      %neg3A_88 = arith.subf %neg3A_87, %get3A_86 : vector<16xf32>
      %exp3A = math.exp %neg3A_88 : vector<16xf32>
      %add3A_89 = arith.constant 1.000000e+00 : f32
      %add3A_90 = vector.broadcast %add3A_89 : f32 to vector<16xf32>
      %add3A_91 = arith.addf %add3A_90, %exp3A : vector<16xf32>
      %div3A_92 = arith.constant 1.000000e+00 : f32
      %div3A_93 = vector.broadcast %div3A_92 : f32 to vector<16xf32>
      %div3A_94 = arith.divf %div3A_93, %add3A_91 : vector<16xf32>
      %get3A_95 = arith.index_cast %mul3A_84 : i32 to index
      %get3A_96 = tpu.vector_load %arg15[%get3A_95] {strides = array<i32>} : memref<10112xf32, #tpu.memory_space<vmem>>, vector<16xf32>,
      %mul3A_97 = arith.mulf %get3A_96, %div3A_94 : vector<16xf32>
      %get3A_98 = arith.index_cast %mul3A_84 : i32 to index
      %get3A_99 = tpu.vector_load %arg16[%get3A_98] {strides = array<i32>} : memref<10112xf32, #tpu.memory_space<vmem>>, vector<16xf32>,
      %mul3A_100 = arith.mulf %get3A_99, %div3A_94 : vector<16xf32>
      %swap3A_101 = arith.index_cast %mul3A_84 : i32 to index
      %swap3A_102 = tpu.vector_load %arg15[%swap3A_101] {strides = array<i32>} : memref<10112xf32, #tpu.memory_space<vmem>>, vector<16xf32>,
      tpu.vector_store %arg15[%swap3A_101], %mul3A_97 {strides = array<i32>} : memref<10112xf32, #tpu.memory_space<vmem>>, vector<16xf32>,
      %swap3A_103 = arith.index_cast %mul3A_84 : i32 to index
      %swap3A_104 = tpu.vector_load %arg16[%swap3A_103] {strides = array<i32>} : memref<10112xf32, #tpu.memory_space<vmem>>, vector<16xf32>,
      tpu.vector_store %arg16[%swap3A_103], %mul3A_100 {strides = array<i32>} : memref<10112xf32, #tpu.memory_space<vmem>>, vector<16xf32>,
      %gt3A = arith.constant 5.000000e-01 : f32
      %gt3A_105 = vector.broadcast %gt3A : f32 to vector<16xf32>
      %gt3A_106 = arith.cmpf ogt, %mul3A_100, %gt3A_105 : vector<16xf32>
      %slice3A_107 = vector.extract_strided_slice %while3A_79 {offsets = [0], sizes = [1], strides = [1]} : vector<16xi32> to vector<1xi32>
      %squeeze3A_108 = vector.extract %slice3A_107[0] : i32 from vector<1xi32>
      %get3A_109 = arith.constant 1 : i32
      %get3A_110 = arith.index_cast %get3A_109 : i32 to index
      %get3A_111 = arith.index_cast %mul3A_84 : i32 to index
      %get3A_112 = tpu.vector_load %arg18[%get3A_110, %get3A_111] {strides = array<i32>} : memref<2x10112xi32, #tpu.memory_space<vmem>>, vector<16xi32>,
      %swap3A_113 = arith.index_cast %squeeze3A_108 : i32 to index
      %swap3A_114 = tpu.vector_load %arg20[%swap3A_113] masked %gt3A_106 {strides = array<i32>} : memref<10656xi32, #tpu.memory_space<vmem>>, vector<16xi32>, vector<16xi1>
      tpu.vector_store %arg20[%swap3A_113], %get3A_112 masked %gt3A_106 {strides = array<i32>} : memref<10656xi32, #tpu.memory_space<vmem>>, vector<16xi32>, vector<16xi1>
      %get3A_115 = arith.constant 0 : i32
      %get3A_116 = arith.index_cast %get3A_115 : i32 to index
      %get3A_117 = arith.index_cast %mul3A_84 : i32 to index
      %get3A_118 = tpu.vector_load %arg18[%get3A_116, %get3A_117] {strides = array<i32>} : memref<2x10112xi32, #tpu.memory_space<vmem>>, vector<16xi32>,
      %swap3A_119 = arith.index_cast %squeeze3A_108 : i32 to index
      %swap3A_120 = tpu.vector_load %arg21[%swap3A_119] masked %gt3A_106 {strides = array<i32>} : memref<10656xi32, #tpu.memory_space<vmem>>, vector<16xi32>, vector<16xi1>
      tpu.vector_store %arg21[%swap3A_119], %get3A_118 masked %gt3A_106 {strides = array<i32>} : memref<10656xi32, #tpu.memory_space<vmem>>, vector<16xi32>, vector<16xi1>
      %gt3A_121 = arith.constant 5.000000e-01 : f32
      %gt3A_122 = vector.broadcast %gt3A_121 : f32 to vector<16xf32>
      %gt3A_123 = arith.cmpf ogt, %mul3A_97, %gt3A_122 : vector<16xf32>
      %get3A_124 = arith.constant 0 : i32
      %get3A_125 = arith.index_cast %get3A_124 : i32 to index
      %get3A_126 = arith.index_cast %mul3A_84 : i32 to index
      %get3A_127 = tpu.vector_load %arg17[%get3A_125, %get3A_126] {strides = array<i32>} : memref<2x10112xi32, #tpu.memory_space<vmem>>, vector<16xi32>,
      %eq3A_128 = arith.cmpi eq, %get3A_127, %get3A_10 : vector<16xi32>
      %and3A_129 = arith.andi %gt3A_123, %eq3A_128 : vector<16xi1>
      %slice3A_130 = vector.extract_strided_slice %while3A_80 {offsets = [0], sizes = [1], strides = [1]} : vector<16xi32> to vector<1xi32>
      %squeeze3A_131 = vector.extract %slice3A_130[0] : i32 from vector<1xi32>
      %get3A_132 = arith.constant 1 : i32
      %get3A_133 = arith.index_cast %get3A_132 : i32 to index
      %get3A_134 = arith.index_cast %mul3A_84 : i32 to index
      %get3A_135 = tpu.vector_load %arg17[%get3A_133, %get3A_134] {strides = array<i32>} : memref<2x10112xi32, #tpu.memory_space<vmem>>, vector<16xi32>,
      %swap3A_136 = arith.index_cast %squeeze3A_131 : i32 to index
      %swap3A_137 = tpu.vector_load %arg22[%swap3A_136] masked %and3A_129 {strides = array<i32>} : memref<10656xi32, #tpu.memory_space<vmem>>, vector<16xi32>, vector<16xi1>
      tpu.vector_store %arg22[%swap3A_136], %get3A_135 masked %and3A_129 {strides = array<i32>} : memref<10656xi32, #tpu.memory_space<vmem>>, vector<16xi32>, vector<16xi1>
      %all_reduce_population_count3A = tpu.all_reduce %gt3A_106 {dim = 0 : i64, kind = #tpu.reduction_kind<sum>} : vector<16xi1> -> vector<16xi32>
      %add3A_138 = arith.addi %while3A_79, %all_reduce_population_count3A : vector<16xi32>
      %all_reduce_population_count3A_139 = tpu.all_reduce %and3A_129 {dim = 0 : i64, kind = #tpu.reduction_kind<sum>} : vector<16xi1> -> vector<16xi32>
      %add3A_140 = arith.addi %while3A_80, %all_reduce_population_count3A_139 : vector<16xi32>
      scf.yield %add3A_138, %add3A_140 : vector<16xi32>, vector<16xi32>
    }
    %slice3A = vector.extract_strided_slice %while3A_49#0 {offsets = [0], sizes = [1], strides = [1]} : vector<16xi32> to vector<1xi32>
    %squeeze3A = vector.extract %slice3A[0] : i32 from vector<1xi32>
    %slice3A_50 = vector.extract_strided_slice %while3A_49#1 {offsets = [0], sizes = [1], strides = [1]} : vector<16xi32> to vector<1xi32>
    %squeeze3A_51 = vector.extract %slice3A_50[0] : i32 from vector<1xi32>
    %swap3A = arith.constant 0 : index
    %swap3A_52 = tpu.vector_load %arg23[%swap3A] {strides = array<i32>} : memref<32xi32, #tpu.memory_space<vmem>>, vector<16xi32>,
    tpu.vector_store %arg23[%swap3A], %while3A_49#0 {strides = array<i32>} : memref<32xi32, #tpu.memory_space<vmem>>, vector<16xi32>,
    %swap3A_53 = arith.constant 16 : index
    %swap3A_54 = tpu.vector_load %arg23[%swap3A_53] {strides = array<i32>} : memref<32xi32, #tpu.memory_space<vmem>>, vector<16xi32>,
    tpu.vector_store %arg23[%swap3A_53], %while3A_49#1 {strides = array<i32>} : memref<32xi32, #tpu.memory_space<vmem>>, vector<16xi32>,
    %iota3A = tpu.iota {dimensions = array<i32: 0>} : vector<16xi32>
    %broadcast_in_dim3A_55 = arith.constant 10000 : i32
    %broadcast_in_dim3A_56 = vector.broadcast %broadcast_in_dim3A_55 : i32 to vector<16xi32>
    %scan3A = arith.constant 0 : i32
    %scan3A_57 = arith.constant 34 : i32
    %scan3A_58 = arith.addi %scan3A, %scan3A_57 : i32
    %scan3A_59 = arith.constant 1 : i32
    scf.for %scan3A_78 = %scan3A to %scan3A_58 step %scan3A_59  : i32 {
      %mul3A_79 = arith.constant 1 : i32
      %mul3A_80 = arith.muli %scan3A_78, %mul3A_79 : i32
      %add3A_81 = arith.constant 0 : i32
      %add3A_82 = arith.addi %add3A_81, %mul3A_80 : i32
      %jit3A_83 = arith.constant 16 : i32
      %div3A_84 = arith.divsi %squeeze3A, %jit3A_83 : i32
      %sign3A_85 = arith.constant 0 : i32
      %sign3A_86 = arith.cmpi sgt, %squeeze3A, %sign3A_85 : i32
      %sign3A_87 = arith.extui %sign3A_86 : i1 to i32
      %sign3A_88 = arith.constant 0 : i32
      %sign3A_89 = arith.cmpi slt, %squeeze3A, %sign3A_88 : i32
      %sign3A_90 = arith.extui %sign3A_89 : i1 to i32
      %sign3A_91 = arith.subi %sign3A_87, %sign3A_90 : i32
      %sign3A_92 = arith.constant 0 : i32
      %sign3A_93 = arith.cmpi sgt, %jit3A_83, %sign3A_92 : i32
      %sign3A_94 = arith.extui %sign3A_93 : i1 to i32
      %sign3A_95 = arith.constant 0 : i32
      %sign3A_96 = arith.cmpi slt, %jit3A_83, %sign3A_95 : i32
      %sign3A_97 = arith.extui %sign3A_96 : i1 to i32
      %sign3A_98 = arith.subi %sign3A_94, %sign3A_97 : i32
      %ne3A_99 = arith.cmpi ne, %sign3A_91, %sign3A_98 : i32
      %rem3A_100 = arith.remsi %squeeze3A, %jit3A_83 : i32
      %ne3A_101 = arith.constant 0 : i32
      %ne3A_102 = arith.cmpi ne, %rem3A_100, %ne3A_101 : i32
      %and3A_103 = arith.andi %ne3A_99, %ne3A_102 : i1
      %sub3A_104 = arith.constant 1 : i32
      %sub3A_105 = arith.subi %div3A_84, %sub3A_104 : i32
      %select_n3A_106 = arith.select %and3A_103, %sub3A_105, %div3A_84 : i32
      %mul3A_107 = arith.constant 16 : i32
      %mul3A_108 = arith.muli %select_n3A_106, %mul3A_107 : i32
      %mul3A_109 = arith.constant 16 : i32
      %mul3A_110 = arith.muli %add3A_82, %mul3A_109 : i32
      %add3A_111 = arith.addi %mul3A_108, %mul3A_110 : i32
      %add3A_112 = vector.broadcast %add3A_111 : i32 to vector<16xi32>
      %add3A_113 = arith.addi %add3A_112, %iota3A : vector<16xi32>
      %ge3A = vector.broadcast %squeeze3A : i32 to vector<16xi32>
      %ge3A_114 = arith.cmpi sge, %add3A_113, %ge3A : vector<16xi32>
      %get3A_115 = arith.index_cast %add3A_111 : i32 to index
      %get3A_116 = tpu.vector_load %arg20[%get3A_115] {strides = array<i32>} : memref<10656xi32, #tpu.memory_space<vmem>>, vector<16xi32>,
      %select_n3A_117 = arith.select %ge3A_114, %broadcast_in_dim3A_11, %get3A_116 : vector<16xi1>, vector<16xi32>
      %swap3A_118 = arith.index_cast %add3A_111 : i32 to index
      %swap3A_119 = tpu.vector_load %arg20[%swap3A_118] {strides = array<i32>} : memref<10656xi32, #tpu.memory_space<vmem>>, vector<16xi32>,
      tpu.vector_store %arg20[%swap3A_118], %select_n3A_117 {strides = array<i32>} : memref<10656xi32, #tpu.memory_space<vmem>>, vector<16xi32>,
      %ge3A_120 = vector.broadcast %squeeze3A : i32 to vector<16xi32>
      %ge3A_121 = arith.cmpi sge, %add3A_113, %ge3A_120 : vector<16xi32>
      %get3A_122 = arith.index_cast %add3A_111 : i32 to index
      %get3A_123 = tpu.vector_load %arg21[%get3A_122] {strides = array<i32>} : memref<10656xi32, #tpu.memory_space<vmem>>, vector<16xi32>,
      %select_n3A_124 = arith.select %ge3A_121, %broadcast_in_dim3A_56, %get3A_123 : vector<16xi1>, vector<16xi32>
      %swap3A_125 = arith.index_cast %add3A_111 : i32 to index
      %swap3A_126 = tpu.vector_load %arg21[%swap3A_125] {strides = array<i32>} : memref<10656xi32, #tpu.memory_space<vmem>>, vector<16xi32>,
      tpu.vector_store %arg21[%swap3A_125], %select_n3A_124 {strides = array<i32>} : memref<10656xi32, #tpu.memory_space<vmem>>, vector<16xi32>,
    }
    %scan3A_60 = arith.constant 34 : i32
    %scan3A_61 = arith.constant 0 : i32
    %scan3A_62 = arith.constant 10 : i32
    %scan3A_63 = arith.addi %scan3A_61, %scan3A_62 : i32
    %scan3A_64 = arith.constant 1 : i32
    scf.for %scan3A_78 = %scan3A_61 to %scan3A_63 step %scan3A_64  : i32 {
      %mul3A_79 = arith.constant 1 : i32
      %mul3A_80 = arith.muli %scan3A_78, %mul3A_79 : i32
      %add3A_81 = arith.constant 0 : i32
      %add3A_82 = arith.addi %add3A_81, %mul3A_80 : i32
      %jit3A_83 = arith.constant 16 : i32
      %div3A_84 = arith.divsi %squeeze3A_51, %jit3A_83 : i32
      %sign3A_85 = arith.constant 0 : i32
      %sign3A_86 = arith.cmpi sgt, %squeeze3A_51, %sign3A_85 : i32
      %sign3A_87 = arith.extui %sign3A_86 : i1 to i32
      %sign3A_88 = arith.constant 0 : i32
      %sign3A_89 = arith.cmpi slt, %squeeze3A_51, %sign3A_88 : i32
      %sign3A_90 = arith.extui %sign3A_89 : i1 to i32
      %sign3A_91 = arith.subi %sign3A_87, %sign3A_90 : i32
      %sign3A_92 = arith.constant 0 : i32
      %sign3A_93 = arith.cmpi sgt, %jit3A_83, %sign3A_92 : i32
      %sign3A_94 = arith.extui %sign3A_93 : i1 to i32
      %sign3A_95 = arith.constant 0 : i32
      %sign3A_96 = arith.cmpi slt, %jit3A_83, %sign3A_95 : i32
      %sign3A_97 = arith.extui %sign3A_96 : i1 to i32
      %sign3A_98 = arith.subi %sign3A_94, %sign3A_97 : i32
      %ne3A_99 = arith.cmpi ne, %sign3A_91, %sign3A_98 : i32
      %rem3A_100 = arith.remsi %squeeze3A_51, %jit3A_83 : i32
      %ne3A_101 = arith.constant 0 : i32
      %ne3A_102 = arith.cmpi ne, %rem3A_100, %ne3A_101 : i32
      %and3A_103 = arith.andi %ne3A_99, %ne3A_102 : i1
      %sub3A_104 = arith.constant 1 : i32
      %sub3A_105 = arith.subi %div3A_84, %sub3A_104 : i32
      %select_n3A_106 = arith.select %and3A_103, %sub3A_105, %div3A_84 : i32
      %mul3A_107 = arith.constant 16 : i32
      %mul3A_108 = arith.muli %select_n3A_106, %mul3A_107 : i32
      %mul3A_109 = arith.constant 16 : i32
      %mul3A_110 = arith.muli %add3A_82, %mul3A_109 : i32
      %add3A_111 = arith.addi %mul3A_108, %mul3A_110 : i32
      %add3A_112 = vector.broadcast %add3A_111 : i32 to vector<16xi32>
      %add3A_113 = arith.addi %add3A_112, %iota3A : vector<16xi32>
      %ge3A = vector.broadcast %squeeze3A_51 : i32 to vector<16xi32>
      %ge3A_114 = arith.cmpi sge, %add3A_113, %ge3A : vector<16xi32>
      %get3A_115 = arith.index_cast %add3A_111 : i32 to index
      %get3A_116 = tpu.vector_load %arg22[%get3A_115] {strides = array<i32>} : memref<10656xi32, #tpu.memory_space<vmem>>, vector<16xi32>,
      %select_n3A_117 = arith.select %ge3A_114, %broadcast_in_dim3A_56, %get3A_116 : vector<16xi1>, vector<16xi32>
      %swap3A_118 = arith.index_cast %add3A_111 : i32 to index
      %swap3A_119 = tpu.vector_load %arg22[%swap3A_118] {strides = array<i32>} : memref<10656xi32, #tpu.memory_space<vmem>>, vector<16xi32>,
      tpu.vector_store %arg22[%swap3A_118], %select_n3A_117 {strides = array<i32>} : memref<10656xi32, #tpu.memory_space<vmem>>, vector<16xi32>,
    }
    %scan3A_65 = arith.constant 10 : i32
    %mul3A_66 = arith.constant 10656 : i32
    %mul3A_67 = arith.muli %add3A, %mul3A_66 : i32
    %not3A_68 = arith.constant true
    %not3A_69 = arith.xori %eq3A_3, %not3A_68 : i1
    %convert_element_type3A_70 = arith.extui %not3A_69 : i1 to i32
    %cond3A_71 = arith.constant 0 : i32
    %cond3A_72 = arith.cmpi ne, %convert_element_type3A_70, %cond3A_71 : i32
    scf.if %cond3A_72 {
      "tpu.region"() ({
        %run_scoped3A = tpu.sem_alloc : memref<!tpu.dma_semaphore, #tpu.memory_space<semaphore_mem>>
        %dma_start3A = tpu.memref_slice %arg8[%mul3A_2] : memref<320000xf32, #tpu.memory_space<hbm>> -> memref<10112xf32, #tpu.memory_space<hbm>>
        %dma_start3A_78 = tpu.memref_slice %arg8[%mul3A_2] : memref<320000xf32, #tpu.memory_space<hbm>> -> memref<10112xf32, #tpu.memory_space<hbm>>
        tpu.enqueue_dma source(%arg15 : memref<10112xf32, #tpu.memory_space<vmem>>) target(%dma_start3A_78 : memref<10112xf32, #tpu.memory_space<hbm>>) target_semaphore(%run_scoped3A : memref<!tpu.dma_semaphore, #tpu.memory_space<semaphore_mem>>)
        %dma_wait3A = tpu.memref_slice %arg8[%mul3A_2] : memref<320000xf32, #tpu.memory_space<hbm>> -> memref<10112xf32, #tpu.memory_space<hbm>>
        %dma_wait3A_79 = tpu.memref_slice %arg8[%mul3A_2] : memref<320000xf32, #tpu.memory_space<hbm>> -> memref<10112xf32, #tpu.memory_space<hbm>>
        tpu.wait_dma2 semaphore(%run_scoped3A : memref<!tpu.dma_semaphore, #tpu.memory_space<semaphore_mem>>) src(%arg15 : memref<10112xf32, #tpu.memory_space<vmem>>) dst(%dma_wait3A_79 : memref<10112xf32, #tpu.memory_space<hbm>>)
        tpu.yield
      }) : () -> ()
      "tpu.region"() ({
        %run_scoped3A = tpu.sem_alloc : memref<!tpu.dma_semaphore, #tpu.memory_space<semaphore_mem>>
        %dma_start3A = tpu.memref_slice %arg9[%mul3A_2] : memref<320000xf32, #tpu.memory_space<hbm>> -> memref<10112xf32, #tpu.memory_space<hbm>>
        %dma_start3A_78 = tpu.memref_slice %arg9[%mul3A_2] : memref<320000xf32, #tpu.memory_space<hbm>> -> memref<10112xf32, #tpu.memory_space<hbm>>
        tpu.enqueue_dma source(%arg16 : memref<10112xf32, #tpu.memory_space<vmem>>) target(%dma_start3A_78 : memref<10112xf32, #tpu.memory_space<hbm>>) target_semaphore(%run_scoped3A : memref<!tpu.dma_semaphore, #tpu.memory_space<semaphore_mem>>)
        %dma_wait3A = tpu.memref_slice %arg9[%mul3A_2] : memref<320000xf32, #tpu.memory_space<hbm>> -> memref<10112xf32, #tpu.memory_space<hbm>>
        %dma_wait3A_79 = tpu.memref_slice %arg9[%mul3A_2] : memref<320000xf32, #tpu.memory_space<hbm>> -> memref<10112xf32, #tpu.memory_space<hbm>>
        tpu.wait_dma2 semaphore(%run_scoped3A : memref<!tpu.dma_semaphore, #tpu.memory_space<semaphore_mem>>) src(%arg16 : memref<10112xf32, #tpu.memory_space<vmem>>) dst(%dma_wait3A_79 : memref<10112xf32, #tpu.memory_space<hbm>>)
        tpu.yield
      }) : () -> ()
    } else {
    }
    %convert_element_type3A_73 = arith.extui %eq3A_3 : i1 to i32
    %cond3A_74 = arith.constant 0 : i32
    %cond3A_75 = arith.cmpi ne, %convert_element_type3A_73, %cond3A_74 : i32
    scf.if %cond3A_75 {
      "tpu.region"() ({
        %run_scoped3A = tpu.sem_alloc : memref<!tpu.dma_semaphore, #tpu.memory_space<semaphore_mem>>
        %dma_start3A = arith.constant 0 : i32
        %dma_start3A_78 = tpu.memref_slice %arg15[%dma_start3A] : memref<10112xf32, #tpu.memory_space<vmem>> -> memref<6528xf32, #tpu.memory_space<vmem>>
        %dma_start3A_79 = tpu.memref_slice %arg8[%mul3A_2] : memref<320000xf32, #tpu.memory_space<hbm>> -> memref<6528xf32, #tpu.memory_space<hbm>>
        %dma_start3A_80 = tpu.memref_slice %arg8[%mul3A_2] : memref<320000xf32, #tpu.memory_space<hbm>> -> memref<6528xf32, #tpu.memory_space<hbm>>
        %dma_start3A_81 = arith.constant 0 : i32
        %dma_start3A_82 = tpu.memref_slice %arg15[%dma_start3A_81] : memref<10112xf32, #tpu.memory_space<vmem>> -> memref<6528xf32, #tpu.memory_space<vmem>>
        tpu.enqueue_dma source(%dma_start3A_82 : memref<6528xf32, #tpu.memory_space<vmem>>) target(%dma_start3A_80 : memref<6528xf32, #tpu.memory_space<hbm>>) target_semaphore(%run_scoped3A : memref<!tpu.dma_semaphore, #tpu.memory_space<semaphore_mem>>)
        %dma_wait3A = arith.constant 0 : i32
        %dma_wait3A_83 = tpu.memref_slice %arg15[%dma_wait3A] : memref<10112xf32, #tpu.memory_space<vmem>> -> memref<6528xf32, #tpu.memory_space<vmem>>
        %dma_wait3A_84 = tpu.memref_slice %arg8[%mul3A_2] : memref<320000xf32, #tpu.memory_space<hbm>> -> memref<6528xf32, #tpu.memory_space<hbm>>
        %dma_wait3A_85 = tpu.memref_slice %arg8[%mul3A_2] : memref<320000xf32, #tpu.memory_space<hbm>> -> memref<6528xf32, #tpu.memory_space<hbm>>
        %dma_wait3A_86 = arith.constant 0 : i32
        %dma_wait3A_87 = tpu.memref_slice %arg15[%dma_wait3A_86] : memref<10112xf32, #tpu.memory_space<vmem>> -> memref<6528xf32, #tpu.memory_space<vmem>>
        tpu.wait_dma2 semaphore(%run_scoped3A : memref<!tpu.dma_semaphore, #tpu.memory_space<semaphore_mem>>) src(%dma_wait3A_87 : memref<6528xf32, #tpu.memory_space<vmem>>) dst(%dma_wait3A_85 : memref<6528xf32, #tpu.memory_space<hbm>>)
        tpu.yield
      }) : () -> ()
      "tpu.region"() ({
        %run_scoped3A = tpu.sem_alloc : memref<!tpu.dma_semaphore, #tpu.memory_space<semaphore_mem>>
        %dma_start3A = arith.constant 0 : i32
        %dma_start3A_78 = tpu.memref_slice %arg16[%dma_start3A] : memref<10112xf32, #tpu.memory_space<vmem>> -> memref<6528xf32, #tpu.memory_space<vmem>>
        %dma_start3A_79 = tpu.memref_slice %arg9[%mul3A_2] : memref<320000xf32, #tpu.memory_space<hbm>> -> memref<6528xf32, #tpu.memory_space<hbm>>
        %dma_start3A_80 = tpu.memref_slice %arg9[%mul3A_2] : memref<320000xf32, #tpu.memory_space<hbm>> -> memref<6528xf32, #tpu.memory_space<hbm>>
        %dma_start3A_81 = arith.constant 0 : i32
        %dma_start3A_82 = tpu.memref_slice %arg16[%dma_start3A_81] : memref<10112xf32, #tpu.memory_space<vmem>> -> memref<6528xf32, #tpu.memory_space<vmem>>
        tpu.enqueue_dma source(%dma_start3A_82 : memref<6528xf32, #tpu.memory_space<vmem>>) target(%dma_start3A_80 : memref<6528xf32, #tpu.memory_space<hbm>>) target_semaphore(%run_scoped3A : memref<!tpu.dma_semaphore, #tpu.memory_space<semaphore_mem>>)
        %dma_wait3A = arith.constant 0 : i32
        %dma_wait3A_83 = tpu.memref_slice %arg16[%dma_wait3A] : memref<10112xf32, #tpu.memory_space<vmem>> -> memref<6528xf32, #tpu.memory_space<vmem>>
        %dma_wait3A_84 = tpu.memref_slice %arg9[%mul3A_2] : memref<320000xf32, #tpu.memory_space<hbm>> -> memref<6528xf32, #tpu.memory_space<hbm>>
        %dma_wait3A_85 = tpu.memref_slice %arg9[%mul3A_2] : memref<320000xf32, #tpu.memory_space<hbm>> -> memref<6528xf32, #tpu.memory_space<hbm>>
        %dma_wait3A_86 = arith.constant 0 : i32
        %dma_wait3A_87 = tpu.memref_slice %arg16[%dma_wait3A_86] : memref<10112xf32, #tpu.memory_space<vmem>> -> memref<6528xf32, #tpu.memory_space<vmem>>
        tpu.wait_dma2 semaphore(%run_scoped3A : memref<!tpu.dma_semaphore, #tpu.memory_space<semaphore_mem>>) src(%dma_wait3A_87 : memref<6528xf32, #tpu.memory_space<vmem>>) dst(%dma_wait3A_85 : memref<6528xf32, #tpu.memory_space<hbm>>)
        tpu.yield
      }) : () -> ()
    } else {
    }
    "tpu.region"() ({
      %run_scoped3A = tpu.sem_alloc : memref<!tpu.dma_semaphore, #tpu.memory_space<semaphore_mem>>
      %dma_start3A = tpu.memref_slice %arg10[%mul3A_67] : memref<340992xi32, #tpu.memory_space<hbm>> -> memref<10656xi32, #tpu.memory_space<hbm>>
      %dma_start3A_78 = tpu.memref_slice %arg10[%mul3A_67] : memref<340992xi32, #tpu.memory_space<hbm>> -> memref<10656xi32, #tpu.memory_space<hbm>>
      tpu.enqueue_dma source(%arg20 : memref<10656xi32, #tpu.memory_space<vmem>>) target(%dma_start3A_78 : memref<10656xi32, #tpu.memory_space<hbm>>) target_semaphore(%run_scoped3A : memref<!tpu.dma_semaphore, #tpu.memory_space<semaphore_mem>>)
      %dma_wait3A = tpu.memref_slice %arg10[%mul3A_67] : memref<340992xi32, #tpu.memory_space<hbm>> -> memref<10656xi32, #tpu.memory_space<hbm>>
      %dma_wait3A_79 = tpu.memref_slice %arg10[%mul3A_67] : memref<340992xi32, #tpu.memory_space<hbm>> -> memref<10656xi32, #tpu.memory_space<hbm>>
      tpu.wait_dma2 semaphore(%run_scoped3A : memref<!tpu.dma_semaphore, #tpu.memory_space<semaphore_mem>>) src(%arg20 : memref<10656xi32, #tpu.memory_space<vmem>>) dst(%dma_wait3A_79 : memref<10656xi32, #tpu.memory_space<hbm>>)
      tpu.yield
    }) : () -> ()
    "tpu.region"() ({
      %run_scoped3A = tpu.sem_alloc : memref<!tpu.dma_semaphore, #tpu.memory_space<semaphore_mem>>
      %dma_start3A = tpu.memref_slice %arg11[%mul3A_67] : memref<340992xi32, #tpu.memory_space<hbm>> -> memref<10656xi32, #tpu.memory_space<hbm>>
      %dma_start3A_78 = tpu.memref_slice %arg11[%mul3A_67] : memref<340992xi32, #tpu.memory_space<hbm>> -> memref<10656xi32, #tpu.memory_space<hbm>>
      tpu.enqueue_dma source(%arg21 : memref<10656xi32, #tpu.memory_space<vmem>>) target(%dma_start3A_78 : memref<10656xi32, #tpu.memory_space<hbm>>) target_semaphore(%run_scoped3A : memref<!tpu.dma_semaphore, #tpu.memory_space<semaphore_mem>>)
      %dma_wait3A = tpu.memref_slice %arg11[%mul3A_67] : memref<340992xi32, #tpu.memory_space<hbm>> -> memref<10656xi32, #tpu.memory_space<hbm>>
      %dma_wait3A_79 = tpu.memref_slice %arg11[%mul3A_67] : memref<340992xi32, #tpu.memory_space<hbm>> -> memref<10656xi32, #tpu.memory_space<hbm>>
      tpu.wait_dma2 semaphore(%run_scoped3A : memref<!tpu.dma_semaphore, #tpu.memory_space<semaphore_mem>>) src(%arg21 : memref<10656xi32, #tpu.memory_space<vmem>>) dst(%dma_wait3A_79 : memref<10656xi32, #tpu.memory_space<hbm>>)
      tpu.yield
    }) : () -> ()
    "tpu.region"() ({
      %run_scoped3A = tpu.sem_alloc : memref<!tpu.dma_semaphore, #tpu.memory_space<semaphore_mem>>
      %dma_start3A = tpu.memref_slice %arg12[%mul3A_67] : memref<340992xi32, #tpu.memory_space<hbm>> -> memref<10656xi32, #tpu.memory_space<hbm>>
      %dma_start3A_78 = tpu.memref_slice %arg12[%mul3A_67] : memref<340992xi32, #tpu.memory_space<hbm>> -> memref<10656xi32, #tpu.memory_space<hbm>>
      tpu.enqueue_dma source(%arg22 : memref<10656xi32, #tpu.memory_space<vmem>>) target(%dma_start3A_78 : memref<10656xi32, #tpu.memory_space<hbm>>) target_semaphore(%run_scoped3A : memref<!tpu.dma_semaphore, #tpu.memory_space<semaphore_mem>>)
      %dma_wait3A = tpu.memref_slice %arg12[%mul3A_67] : memref<340992xi32, #tpu.memory_space<hbm>> -> memref<10656xi32, #tpu.memory_space<hbm>>
      %dma_wait3A_79 = tpu.memref_slice %arg12[%mul3A_67] : memref<340992xi32, #tpu.memory_space<hbm>> -> memref<10656xi32, #tpu.memory_space<hbm>>
      tpu.wait_dma2 semaphore(%run_scoped3A : memref<!tpu.dma_semaphore, #tpu.memory_space<semaphore_mem>>) src(%arg22 : memref<10656xi32, #tpu.memory_space<vmem>>) dst(%dma_wait3A_79 : memref<10656xi32, #tpu.memory_space<hbm>>)
      tpu.yield
    }) : () -> ()
    %mul3A_76 = arith.constant 32 : i32
    %mul3A_77 = arith.muli %add3A, %mul3A_76 : i32
    "tpu.region"() ({
      %run_scoped3A = tpu.sem_alloc : memref<!tpu.dma_semaphore, #tpu.memory_space<semaphore_mem>>
      %dma_start3A = tpu.memref_slice %arg13[%mul3A_77] : memref<1024xi32, #tpu.memory_space<hbm>> -> memref<32xi32, #tpu.memory_space<hbm>>
      %dma_start3A_78 = tpu.memref_slice %arg13[%mul3A_77] : memref<1024xi32, #tpu.memory_space<hbm>> -> memref<32xi32, #tpu.memory_space<hbm>>
      tpu.enqueue_dma source(%arg23 : memref<32xi32, #tpu.memory_space<vmem>>) target(%dma_start3A_78 : memref<32xi32, #tpu.memory_space<hbm>>) target_semaphore(%run_scoped3A : memref<!tpu.dma_semaphore, #tpu.memory_space<semaphore_mem>>)
      %dma_wait3A = tpu.memref_slice %arg13[%mul3A_77] : memref<1024xi32, #tpu.memory_space<hbm>> -> memref<32xi32, #tpu.memory_space<hbm>>
      %dma_wait3A_79 = tpu.memref_slice %arg13[%mul3A_77] : memref<1024xi32, #tpu.memory_space<hbm>> -> memref<32xi32, #tpu.memory_space<hbm>>
      tpu.wait_dma2 semaphore(%run_scoped3A : memref<!tpu.dma_semaphore, #tpu.memory_space<semaphore_mem>>) src(%arg23 : memref<32xi32, #tpu.memory_space<vmem>>) dst(%dma_wait3A_79 : memref<32xi32, #tpu.memory_space<hbm>>)
      tpu.yield
    }) : () -> ()
    return
  }
}

#map = affine_map<(d0, d1) -> (0, 0)>
#map1 = affine_map<(d0, d1) -> (0)>
#map2 = affine_map<(d0, d1) -> (0, 0, 0)>
module attributes {stable_mosaic.version = 14 : i64} {
  func.func @k(%arg0: i32, %arg1: i32, %arg2: memref<10000x64xf32, #tpu.memory_space<hbm>>, %arg3: memref<340992xi32, #tpu.memory_space<hbm>>, %arg4: memref<340992xi32, #tpu.memory_space<hbm>>, %arg5: memref<340992xi32, #tpu.memory_space<hbm>>, %arg6: memref<1024xi32, #tpu.memory_space<hbm>>, %arg7: memref<632x64xf32, #tpu.memory_space<hbm>>, %arg8: memref<640xf32, #tpu.memory_space<hbm>>, %arg9: memref<128xf32, #tpu.memory_space<hbm>>, %arg10: memref<2x10112x64xf32, #tpu.memory_space<hbm>>, %arg11: memref<20224xf32, #tpu.memory_space<hbm>>, %arg12: memref<10656xi32, #tpu.memory_space<vmem>>, %arg13: memref<10656xi32, #tpu.memory_space<vmem>>, %arg14: memref<10656xi32, #tpu.memory_space<vmem>>, %arg15: memref<32xi32, #tpu.memory_space<vmem>>, %arg16: memref<1x128xi32, #tpu.memory_space<vmem>>, %arg17: memref<1x128xi32, #tpu.memory_space<vmem>>, %arg18: memref<128x64xf32, #tpu.memory_space<vmem>>, %arg19: memref<128xf32, #tpu.memory_space<vmem>>, %arg20: memref<10112x64xf32, #tpu.memory_space<vmem_shared>>, %arg21: memref<10112xf32, #tpu.memory_space<vmem_shared>>, %arg22: memref<!tpu.dma_semaphore, #tpu.memory_space<semaphore_mem>>) attributes {dimension_semantics = [#tpu.dimension_semantics<core_parallel>, #tpu.dimension_semantics<subcore_parallel>], iteration_bounds = array<i64: 2, 16>, scalar_prefetch = 0 : i64, scratch_operands = 11 : i64, tpu.core_type = #tpu.core_type<sc_vector_subcore>, window_params = [{transform_indices = #map}, {transform_indices = #map1}, {transform_indices = #map1}, {transform_indices = #map1}, {transform_indices = #map1}, {transform_indices = #map}, {transform_indices = #map1}, {transform_indices = #map1}, {transform_indices = #map2}, {transform_indices = #map1}]} {
    %mul3A = arith.constant 2 : i32
    %mul3A_0 = arith.muli %arg1, %mul3A : i32
    %add3A = arith.addi %mul3A_0, %arg0 : i32
    %mul3A_1 = arith.constant 10656 : i32
    %mul3A_2 = arith.muli %add3A, %mul3A_1 : i32
    %mul3A_3 = arith.constant 32 : i32
    %mul3A_4 = arith.muli %add3A, %mul3A_3 : i32
    "tpu.region"() ({
      %run_scoped3A = tpu.sem_alloc : memref<!tpu.dma_semaphore, #tpu.memory_space<semaphore_mem>>
      %dma_start3A = tpu.memref_slice %arg6[%mul3A_4] : memref<1024xi32, #tpu.memory_space<hbm>> -> memref<32xi32, #tpu.memory_space<hbm>>
      %dma_start3A_97 = tpu.memref_slice %arg6[%mul3A_4] : memref<1024xi32, #tpu.memory_space<hbm>> -> memref<32xi32, #tpu.memory_space<hbm>>
      tpu.enqueue_dma source(%dma_start3A_97 : memref<32xi32, #tpu.memory_space<hbm>>) target(%arg15 : memref<32xi32, #tpu.memory_space<vmem>>) target_semaphore(%run_scoped3A : memref<!tpu.dma_semaphore, #tpu.memory_space<semaphore_mem>>)
      %dma_wait3A = tpu.memref_slice %arg6[%mul3A_4] : memref<1024xi32, #tpu.memory_space<hbm>> -> memref<32xi32, #tpu.memory_space<hbm>>
      %dma_wait3A_98 = tpu.memref_slice %arg6[%mul3A_4] : memref<1024xi32, #tpu.memory_space<hbm>> -> memref<32xi32, #tpu.memory_space<hbm>>
      tpu.wait_dma2 semaphore(%run_scoped3A : memref<!tpu.dma_semaphore, #tpu.memory_space<semaphore_mem>>) src(%dma_wait3A_98 : memref<32xi32, #tpu.memory_space<hbm>>) dst(%arg15 : memref<32xi32, #tpu.memory_space<vmem>>)
      tpu.yield
    }) : () -> ()
    %get3A = arith.constant 0 : index
    %get3A_5 = tpu.vector_load %arg15[%get3A] {strides = array<i32>} : memref<32xi32, #tpu.memory_space<vmem>>, vector<16xi32>,
    %slice3A = vector.extract_strided_slice %get3A_5 {offsets = [0], sizes = [1], strides = [1]} : vector<16xi32> to vector<1xi32>
    %squeeze3A = vector.extract %slice3A[0] : i32 from vector<1xi32>
    %get3A_6 = arith.constant 16 : index
    %get3A_7 = tpu.vector_load %arg15[%get3A_6] {strides = array<i32>} : memref<32xi32, #tpu.memory_space<vmem>>, vector<16xi32>,
    %slice3A_8 = vector.extract_strided_slice %get3A_7 {offsets = [0], sizes = [1], strides = [1]} : vector<16xi32> to vector<1xi32>
    %squeeze3A_9 = vector.extract %slice3A_8[0] : i32 from vector<1xi32>
    %add3A_10 = arith.constant 127 : i32
    %add3A_11 = arith.addi %squeeze3A, %add3A_10 : i32
    %jit3A = arith.constant 128 : i32
    %div3A = arith.divsi %add3A_11, %jit3A : i32
    %sign3A = arith.constant 0 : i32
    %sign3A_12 = arith.cmpi sgt, %add3A_11, %sign3A : i32
    %sign3A_13 = arith.extui %sign3A_12 : i1 to i32
    %sign3A_14 = arith.constant 0 : i32
    %sign3A_15 = arith.cmpi slt, %add3A_11, %sign3A_14 : i32
    %sign3A_16 = arith.extui %sign3A_15 : i1 to i32
    %sign3A_17 = arith.subi %sign3A_13, %sign3A_16 : i32
    %sign3A_18 = arith.constant 0 : i32
    %sign3A_19 = arith.cmpi sgt, %jit3A, %sign3A_18 : i32
    %sign3A_20 = arith.extui %sign3A_19 : i1 to i32
    %sign3A_21 = arith.constant 0 : i32
    %sign3A_22 = arith.cmpi slt, %jit3A, %sign3A_21 : i32
    %sign3A_23 = arith.extui %sign3A_22 : i1 to i32
    %sign3A_24 = arith.subi %sign3A_20, %sign3A_23 : i32
    %ne3A = arith.cmpi ne, %sign3A_17, %sign3A_24 : i32
    %rem3A = arith.remsi %add3A_11, %jit3A : i32
    %ne3A_25 = arith.constant 0 : i32
    %ne3A_26 = arith.cmpi ne, %rem3A, %ne3A_25 : i32
    %and3A = arith.andi %ne3A, %ne3A_26 : i1
    %sub3A = arith.constant 1 : i32
    %sub3A_27 = arith.subi %div3A, %sub3A : i32
    %select_n3A = arith.select %and3A, %sub3A_27, %div3A : i32
    %add3A_28 = arith.constant 127 : i32
    %add3A_29 = arith.addi %squeeze3A_9, %add3A_28 : i32
    %jit3A_30 = arith.constant 128 : i32
    %div3A_31 = arith.divsi %add3A_29, %jit3A_30 : i32
    %sign3A_32 = arith.constant 0 : i32
    %sign3A_33 = arith.cmpi sgt, %add3A_29, %sign3A_32 : i32
    %sign3A_34 = arith.extui %sign3A_33 : i1 to i32
    %sign3A_35 = arith.constant 0 : i32
    %sign3A_36 = arith.cmpi slt, %add3A_29, %sign3A_35 : i32
    %sign3A_37 = arith.extui %sign3A_36 : i1 to i32
    %sign3A_38 = arith.subi %sign3A_34, %sign3A_37 : i32
    %sign3A_39 = arith.constant 0 : i32
    %sign3A_40 = arith.cmpi sgt, %jit3A_30, %sign3A_39 : i32
    %sign3A_41 = arith.extui %sign3A_40 : i1 to i32
    %sign3A_42 = arith.constant 0 : i32
    %sign3A_43 = arith.cmpi slt, %jit3A_30, %sign3A_42 : i32
    %sign3A_44 = arith.extui %sign3A_43 : i1 to i32
    %sign3A_45 = arith.subi %sign3A_41, %sign3A_44 : i32
    %ne3A_46 = arith.cmpi ne, %sign3A_38, %sign3A_45 : i32
    %rem3A_47 = arith.remsi %add3A_29, %jit3A_30 : i32
    %ne3A_48 = arith.constant 0 : i32
    %ne3A_49 = arith.cmpi ne, %rem3A_47, %ne3A_48 : i32
    %and3A_50 = arith.andi %ne3A_46, %ne3A_49 : i1
    %sub3A_51 = arith.constant 1 : i32
    %sub3A_52 = arith.subi %div3A_31, %sub3A_51 : i32
    %select_n3A_53 = arith.select %and3A_50, %sub3A_52, %div3A_31 : i32
    "tpu.region"() ({
      %run_scoped3A = tpu.sem_alloc : memref<!tpu.dma_semaphore, #tpu.memory_space<semaphore_mem>>
      %dma_start3A = tpu.memref_slice %arg3[%mul3A_2] : memref<340992xi32, #tpu.memory_space<hbm>> -> memref<10656xi32, #tpu.memory_space<hbm>>
      %dma_start3A_97 = tpu.memref_slice %arg3[%mul3A_2] : memref<340992xi32, #tpu.memory_space<hbm>> -> memref<10656xi32, #tpu.memory_space<hbm>>
      tpu.enqueue_dma source(%dma_start3A_97 : memref<10656xi32, #tpu.memory_space<hbm>>) target(%arg12 : memref<10656xi32, #tpu.memory_space<vmem>>) target_semaphore(%run_scoped3A : memref<!tpu.dma_semaphore, #tpu.memory_space<semaphore_mem>>)
      %dma_wait3A = tpu.memref_slice %arg3[%mul3A_2] : memref<340992xi32, #tpu.memory_space<hbm>> -> memref<10656xi32, #tpu.memory_space<hbm>>
      %dma_wait3A_98 = tpu.memref_slice %arg3[%mul3A_2] : memref<340992xi32, #tpu.memory_space<hbm>> -> memref<10656xi32, #tpu.memory_space<hbm>>
      tpu.wait_dma2 semaphore(%run_scoped3A : memref<!tpu.dma_semaphore, #tpu.memory_space<semaphore_mem>>) src(%dma_wait3A_98 : memref<10656xi32, #tpu.memory_space<hbm>>) dst(%arg12 : memref<10656xi32, #tpu.memory_space<vmem>>)
      tpu.yield
    }) : () -> ()
    "tpu.region"() ({
      %run_scoped3A = tpu.sem_alloc : memref<!tpu.dma_semaphore, #tpu.memory_space<semaphore_mem>>
      %dma_start3A = tpu.memref_slice %arg4[%mul3A_2] : memref<340992xi32, #tpu.memory_space<hbm>> -> memref<10656xi32, #tpu.memory_space<hbm>>
      %dma_start3A_97 = tpu.memref_slice %arg4[%mul3A_2] : memref<340992xi32, #tpu.memory_space<hbm>> -> memref<10656xi32, #tpu.memory_space<hbm>>
      tpu.enqueue_dma source(%dma_start3A_97 : memref<10656xi32, #tpu.memory_space<hbm>>) target(%arg13 : memref<10656xi32, #tpu.memory_space<vmem>>) target_semaphore(%run_scoped3A : memref<!tpu.dma_semaphore, #tpu.memory_space<semaphore_mem>>)
      %dma_wait3A = tpu.memref_slice %arg4[%mul3A_2] : memref<340992xi32, #tpu.memory_space<hbm>> -> memref<10656xi32, #tpu.memory_space<hbm>>
      %dma_wait3A_98 = tpu.memref_slice %arg4[%mul3A_2] : memref<340992xi32, #tpu.memory_space<hbm>> -> memref<10656xi32, #tpu.memory_space<hbm>>
      tpu.wait_dma2 semaphore(%run_scoped3A : memref<!tpu.dma_semaphore, #tpu.memory_space<semaphore_mem>>) src(%dma_wait3A_98 : memref<10656xi32, #tpu.memory_space<hbm>>) dst(%arg13 : memref<10656xi32, #tpu.memory_space<vmem>>)
      tpu.yield
    }) : () -> ()
    "tpu.region"() ({
      %run_scoped3A = tpu.sem_alloc : memref<!tpu.dma_semaphore, #tpu.memory_space<semaphore_mem>>
      %dma_start3A = tpu.memref_slice %arg5[%mul3A_2] : memref<340992xi32, #tpu.memory_space<hbm>> -> memref<10656xi32, #tpu.memory_space<hbm>>
      %dma_start3A_97 = tpu.memref_slice %arg5[%mul3A_2] : memref<340992xi32, #tpu.memory_space<hbm>> -> memref<10656xi32, #tpu.memory_space<hbm>>
      tpu.enqueue_dma source(%dma_start3A_97 : memref<10656xi32, #tpu.memory_space<hbm>>) target(%arg14 : memref<10656xi32, #tpu.memory_space<vmem>>) target_semaphore(%run_scoped3A : memref<!tpu.dma_semaphore, #tpu.memory_space<semaphore_mem>>)
      %dma_wait3A = tpu.memref_slice %arg5[%mul3A_2] : memref<340992xi32, #tpu.memory_space<hbm>> -> memref<10656xi32, #tpu.memory_space<hbm>>
      %dma_wait3A_98 = tpu.memref_slice %arg5[%mul3A_2] : memref<340992xi32, #tpu.memory_space<hbm>> -> memref<10656xi32, #tpu.memory_space<hbm>>
      tpu.wait_dma2 semaphore(%run_scoped3A : memref<!tpu.dma_semaphore, #tpu.memory_space<semaphore_mem>>) src(%dma_wait3A_98 : memref<10656xi32, #tpu.memory_space<hbm>>) dst(%arg14 : memref<10656xi32, #tpu.memory_space<vmem>>)
      tpu.yield
    }) : () -> ()
    "tpu.region"() ({
      %run_scoped3A = tpu.sem_alloc : memref<!tpu.dma_semaphore, #tpu.memory_space<semaphore_mem>>
      tpu.enqueue_dma source(%arg9 : memref<128xf32, #tpu.memory_space<hbm>>) target(%arg19 : memref<128xf32, #tpu.memory_space<vmem>>) target_semaphore(%run_scoped3A : memref<!tpu.dma_semaphore, #tpu.memory_space<semaphore_mem>>)
      tpu.wait_dma2 semaphore(%run_scoped3A : memref<!tpu.dma_semaphore, #tpu.memory_space<semaphore_mem>>) src(%arg9 : memref<128xf32, #tpu.memory_space<hbm>>) dst(%arg19 : memref<128xf32, #tpu.memory_space<vmem>>)
      tpu.yield
    }) : () -> ()
    %mul3A_54 = arith.constant 632 : i32
    %mul3A_55 = arith.muli %arg1, %mul3A_54 : i32
    "tpu.region"() ({
      %run_scoped3A = tpu.sem_alloc : memref<!tpu.dma_semaphore, #tpu.memory_space<semaphore_mem>>
      %dma_start3A = arith.constant 0 : i32
      %dma_start3A_97 = tpu.memref_slice %arg20[%mul3A_55, %dma_start3A] : memref<10112x64xf32, #tpu.memory_space<vmem_shared>> -> memref<632x64xf32, #tpu.memory_space<vmem_shared>>
      tpu.enqueue_dma source(%arg7 : memref<632x64xf32, #tpu.memory_space<hbm>>) target(%dma_start3A_97 : memref<632x64xf32, #tpu.memory_space<vmem_shared>>) target_semaphore(%run_scoped3A : memref<!tpu.dma_semaphore, #tpu.memory_space<semaphore_mem>>)
      %dma_wait3A = arith.constant 0 : i32
      %dma_wait3A_98 = tpu.memref_slice %arg20[%mul3A_55, %dma_wait3A] : memref<10112x64xf32, #tpu.memory_space<vmem_shared>> -> memref<632x64xf32, #tpu.memory_space<vmem_shared>>
      tpu.wait_dma2 semaphore(%run_scoped3A : memref<!tpu.dma_semaphore, #tpu.memory_space<semaphore_mem>>) src(%arg7 : memref<632x64xf32, #tpu.memory_space<hbm>>) dst(%dma_wait3A_98 : memref<632x64xf32, #tpu.memory_space<vmem_shared>>)
      tpu.yield
    }) : () -> ()
    "tpu.region"() ({
      %run_scoped3A = tpu.sem_alloc : memref<!tpu.dma_semaphore, #tpu.memory_space<semaphore_mem>>
      %dma_start3A = tpu.memref_slice %arg21[%mul3A_55] : memref<10112xf32, #tpu.memory_space<vmem_shared>> -> memref<632xf32, #tpu.memory_space<vmem_shared>>
      %dma_start3A_97 = arith.constant 0 : i32
      %dma_start3A_98 = tpu.memref_slice %arg8[%dma_start3A_97] : memref<640xf32, #tpu.memory_space<hbm>> -> memref<632xf32, #tpu.memory_space<hbm>>
      tpu.enqueue_dma source(%dma_start3A_98 : memref<632xf32, #tpu.memory_space<hbm>>) target(%dma_start3A : memref<632xf32, #tpu.memory_space<vmem_shared>>) target_semaphore(%run_scoped3A : memref<!tpu.dma_semaphore, #tpu.memory_space<semaphore_mem>>)
      %dma_wait3A = tpu.memref_slice %arg21[%mul3A_55] : memref<10112xf32, #tpu.memory_space<vmem_shared>> -> memref<632xf32, #tpu.memory_space<vmem_shared>>
      %dma_wait3A_99 = arith.constant 0 : i32
      %dma_wait3A_100 = tpu.memref_slice %arg8[%dma_wait3A_99] : memref<640xf32, #tpu.memory_space<hbm>> -> memref<632xf32, #tpu.memory_space<hbm>>
      tpu.wait_dma2 semaphore(%run_scoped3A : memref<!tpu.dma_semaphore, #tpu.memory_space<semaphore_mem>>) src(%dma_wait3A_100 : memref<632xf32, #tpu.memory_space<hbm>>) dst(%dma_wait3A : memref<632xf32, #tpu.memory_space<vmem_shared>>)
      tpu.yield
    }) : () -> ()
    %barrier3A = arith.constant 0 : index
    tpu.barrier barrier_id(%barrier3A)
    %sub3A_56 = arith.constant 0 : i32
    %sub3A_57 = arith.subi %select_n3A, %sub3A_56 : i32
    %sub3A_58 = arith.constant 1 : i32
    %sub3A_59 = arith.constant 1 : i32
    %sub3A_60 = arith.subi %sub3A_58, %sub3A_59 : i32
    %add3A_61 = arith.addi %sub3A_57, %sub3A_60 : i32
    %div3A_62 = arith.constant 1 : i32
    %div3A_63 = arith.divsi %add3A_61, %div3A_62 : i32
    %while3A = arith.constant 1 : i32
    %while3A_64 = arith.constant 0 : i32
    %while3A_65 = arith.constant 0 : i32
    %while3A_66 = arith.subi %div3A_63, %while3A_65 : i32
    %while3A_67 = arith.addi %while3A_65, %while3A_66 : i32
    %while3A_68 = arith.constant 1 : i32
    %while3A_69 = arith.divsi %while3A_66, %while3A_68 : i32
    %while3A_70 = arith.muli %while3A_69, %while3A_68 : i32
    %while3A_71 = arith.addi %while3A_65, %while3A_70 : i32
    %while3A_72 = arith.constant 1 : i32
    scf.for %while3A_97 = %while3A_65 to %while3A_71 step %while3A_72  : i32 {
      %mul3A_98 = arith.muli %while3A_97, %while3A : i32
      %add3A_99 = arith.addi %while3A_64, %mul3A_98 : i32
      %scan3A = arith.constant 0 : i32
      %scan3A_100 = arith.constant 8 : i32
      %scan3A_101 = arith.addi %scan3A, %scan3A_100 : i32
      %scan3A_102 = arith.constant 1 : i32
      scf.for %scan3A_112 = %scan3A to %scan3A_101 step %scan3A_102  : i32 {
        %mul3A_113 = arith.constant 1 : i32
        %mul3A_114 = arith.muli %scan3A_112, %mul3A_113 : i32
        %add3A_115 = arith.constant 0 : i32
        %add3A_116 = arith.addi %add3A_115, %mul3A_114 : i32
        %mul3A_117 = arith.constant 128 : i32
        %mul3A_118 = arith.muli %add3A_99, %mul3A_117 : i32
        %mul3A_119 = arith.constant 16 : i32
        %mul3A_120 = arith.muli %add3A_116, %mul3A_119 : i32
        %add3A_121 = arith.addi %mul3A_118, %mul3A_120 : i32
        %get3A_122 = arith.index_cast %add3A_121 : i32 to index
        %get3A_123 = tpu.vector_load %arg13[%get3A_122] {strides = array<i32>} : memref<10656xi32, #tpu.memory_space<vmem>>, vector<16xi32>,
        %mul3A_124 = arith.constant 16 : i32
        %mul3A_125 = arith.muli %add3A_116, %mul3A_124 : i32
        %swap3A = arith.constant 0 : i32
        %swap3A_126 = arith.index_cast %swap3A : i32 to index
        %swap3A_127 = arith.index_cast %mul3A_125 : i32 to index
        %swap3A_128 = tpu.vector_load %arg16[%swap3A_126, %swap3A_127] {strides = array<i32>} : memref<1x128xi32, #tpu.memory_space<vmem>>, vector<16xi32>,
        tpu.vector_store %arg16[%swap3A_126, %swap3A_127], %get3A_123 {strides = array<i32>} : memref<1x128xi32, #tpu.memory_space<vmem>>, vector<16xi32>,
      }
      %scan3A_103 = arith.constant 8 : i32
      %mul3A_104 = arith.constant 128 : i32
      %mul3A_105 = arith.muli %add3A_99, %mul3A_104 : i32
      %dma_start3A = tpu.memref_slice %arg12[%mul3A_105] : memref<10656xi32, #tpu.memory_space<vmem>> -> memref<128xi32, #tpu.memory_space<vmem>>
      %dma_start3A_106 = arith.constant 0 : i32
      %dma_start3A_107 = arith.constant 0 : i32
      %dma_start3A_108 = tpu.memref_slice %arg2[%dma_start3A_106, %dma_start3A_107] : memref<10000x64xf32, #tpu.memory_space<hbm>> -> memref<10000x64xf32, #tpu.memory_space<hbm>>
      tpu.enqueue_indirect_dma source(%dma_start3A_108 : memref<10000x64xf32, #tpu.memory_space<hbm>>) target(%arg18 : memref<128x64xf32, #tpu.memory_space<vmem>>) offsets(%dma_start3A : memref<128xi32, #tpu.memory_space<vmem>>) semaphore(%arg22 : memref<!tpu.dma_semaphore, #tpu.memory_space<semaphore_mem>>)
      %dma_wait3A = tpu.memref_slice %arg12[%mul3A_105] : memref<10656xi32, #tpu.memory_space<vmem>> -> memref<128xi32, #tpu.memory_space<vmem>>
      %dma_wait3A_109 = arith.constant 0 : i32
      %dma_wait3A_110 = arith.constant 0 : i32
      %dma_wait3A_111 = tpu.memref_slice %arg2[%dma_wait3A_109, %dma_wait3A_110] : memref<10000x64xf32, #tpu.memory_space<hbm>> -> memref<10000x64xf32, #tpu.memory_space<hbm>>
      tpu.wait_indirect_dma semaphore(%arg22 : memref<!tpu.dma_semaphore, #tpu.memory_space<semaphore_mem>>) src(%dma_wait3A_111 : memref<10000x64xf32, #tpu.memory_space<hbm>>) dst(%arg18 : memref<128x64xf32, #tpu.memory_space<vmem>>)
      %run_scoped3A = arith.constant 0 : i32
      "tpu.region"() ({
        %run_scoped3A_112 = tpu.sem_alloc : memref<!tpu.dma_semaphore, #tpu.memory_space<semaphore_mem>>
        %dma_start3A_113 = arith.constant 0 : i32
        %dma_start3A_114 = tpu.memref_slice %arg16[%run_scoped3A, %dma_start3A_113] : memref<1x128xi32, #tpu.memory_space<vmem>> -> memref<1x128xi32, #tpu.memory_space<vmem>>
        %dma_start3A_115 = tpu.memref_squeeze %dma_start3A_114 : memref<1x128xi32, #tpu.memory_space<vmem>> -> memref<128xi32, #tpu.memory_space<vmem>>
        %dma_start3A_116 = arith.constant 0 : i32
        %dma_start3A_117 = arith.constant 0 : i32
        %dma_start3A_118 = tpu.memref_slice %arg20[%dma_start3A_116, %dma_start3A_117] : memref<10112x64xf32, #tpu.memory_space<vmem_shared>> -> memref<10112x64xf32, #tpu.memory_space<vmem_shared>>
        tpu.enqueue_indirect_dma source(%arg18 : memref<128x64xf32, #tpu.memory_space<vmem>>) target(%dma_start3A_118 : memref<10112x64xf32, #tpu.memory_space<vmem_shared>>) offsets(%dma_start3A_115 : memref<128xi32, #tpu.memory_space<vmem>>) semaphore(%run_scoped3A_112 : memref<!tpu.dma_semaphore, #tpu.memory_space<semaphore_mem>>) {add = true}
        %dma_wait3A_119 = arith.constant 0 : i32
        %dma_wait3A_120 = tpu.memref_slice %arg16[%run_scoped3A, %dma_wait3A_119] : memref<1x128xi32, #tpu.memory_space<vmem>> -> memref<1x128xi32, #tpu.memory_space<vmem>>
        %dma_wait3A_121 = tpu.memref_squeeze %dma_wait3A_120 : memref<1x128xi32, #tpu.memory_space<vmem>> -> memref<128xi32, #tpu.memory_space<vmem>>
        %dma_wait3A_122 = arith.constant 0 : i32
        %dma_wait3A_123 = arith.constant 0 : i32
        %dma_wait3A_124 = tpu.memref_slice %arg20[%dma_wait3A_122, %dma_wait3A_123] : memref<10112x64xf32, #tpu.memory_space<vmem_shared>> -> memref<10112x64xf32, #tpu.memory_space<vmem_shared>>
        tpu.wait_indirect_dma semaphore(%run_scoped3A_112 : memref<!tpu.dma_semaphore, #tpu.memory_space<semaphore_mem>>) src(%arg18 : memref<128x64xf32, #tpu.memory_space<vmem>>) dst(%dma_wait3A_124 : memref<10112x64xf32, #tpu.memory_space<vmem_shared>>)
        tpu.yield
      }) : () -> ()
    }
    %while3A_73 = arith.constant 1 : i32
    scf.for %while3A_97 = %while3A_71 to %while3A_67 step %while3A_73  : i32 {
      %mul3A_98 = arith.muli %while3A_97, %while3A : i32
      %add3A_99 = arith.addi %while3A_64, %mul3A_98 : i32
      %scan3A = arith.constant 0 : i32
      %scan3A_100 = arith.constant 8 : i32
      %scan3A_101 = arith.addi %scan3A, %scan3A_100 : i32
      %scan3A_102 = arith.constant 1 : i32
      scf.for %scan3A_112 = %scan3A to %scan3A_101 step %scan3A_102  : i32 {
        %mul3A_113 = arith.constant 1 : i32
        %mul3A_114 = arith.muli %scan3A_112, %mul3A_113 : i32
        %add3A_115 = arith.constant 0 : i32
        %add3A_116 = arith.addi %add3A_115, %mul3A_114 : i32
        %mul3A_117 = arith.constant 128 : i32
        %mul3A_118 = arith.muli %add3A_99, %mul3A_117 : i32
        %mul3A_119 = arith.constant 16 : i32
        %mul3A_120 = arith.muli %add3A_116, %mul3A_119 : i32
        %add3A_121 = arith.addi %mul3A_118, %mul3A_120 : i32
        %get3A_122 = arith.index_cast %add3A_121 : i32 to index
        %get3A_123 = tpu.vector_load %arg13[%get3A_122] {strides = array<i32>} : memref<10656xi32, #tpu.memory_space<vmem>>, vector<16xi32>,
        %mul3A_124 = arith.constant 16 : i32
        %mul3A_125 = arith.muli %add3A_116, %mul3A_124 : i32
        %swap3A = arith.constant 0 : i32
        %swap3A_126 = arith.index_cast %swap3A : i32 to index
        %swap3A_127 = arith.index_cast %mul3A_125 : i32 to index
        %swap3A_128 = tpu.vector_load %arg16[%swap3A_126, %swap3A_127] {strides = array<i32>} : memref<1x128xi32, #tpu.memory_space<vmem>>, vector<16xi32>,
        tpu.vector_store %arg16[%swap3A_126, %swap3A_127], %get3A_123 {strides = array<i32>} : memref<1x128xi32, #tpu.memory_space<vmem>>, vector<16xi32>,
      }
      %scan3A_103 = arith.constant 8 : i32
      %mul3A_104 = arith.constant 128 : i32
      %mul3A_105 = arith.muli %add3A_99, %mul3A_104 : i32
      %dma_start3A = tpu.memref_slice %arg12[%mul3A_105] : memref<10656xi32, #tpu.memory_space<vmem>> -> memref<128xi32, #tpu.memory_space<vmem>>
      %dma_start3A_106 = arith.constant 0 : i32
      %dma_start3A_107 = arith.constant 0 : i32
      %dma_start3A_108 = tpu.memref_slice %arg2[%dma_start3A_106, %dma_start3A_107] : memref<10000x64xf32, #tpu.memory_space<hbm>> -> memref<10000x64xf32, #tpu.memory_space<hbm>>
      tpu.enqueue_indirect_dma source(%dma_start3A_108 : memref<10000x64xf32, #tpu.memory_space<hbm>>) target(%arg18 : memref<128x64xf32, #tpu.memory_space<vmem>>) offsets(%dma_start3A : memref<128xi32, #tpu.memory_space<vmem>>) semaphore(%arg22 : memref<!tpu.dma_semaphore, #tpu.memory_space<semaphore_mem>>)
      %dma_wait3A = tpu.memref_slice %arg12[%mul3A_105] : memref<10656xi32, #tpu.memory_space<vmem>> -> memref<128xi32, #tpu.memory_space<vmem>>
      %dma_wait3A_109 = arith.constant 0 : i32
      %dma_wait3A_110 = arith.constant 0 : i32
      %dma_wait3A_111 = tpu.memref_slice %arg2[%dma_wait3A_109, %dma_wait3A_110] : memref<10000x64xf32, #tpu.memory_space<hbm>> -> memref<10000x64xf32, #tpu.memory_space<hbm>>
      tpu.wait_indirect_dma semaphore(%arg22 : memref<!tpu.dma_semaphore, #tpu.memory_space<semaphore_mem>>) src(%dma_wait3A_111 : memref<10000x64xf32, #tpu.memory_space<hbm>>) dst(%arg18 : memref<128x64xf32, #tpu.memory_space<vmem>>)
      %run_scoped3A = arith.constant 0 : i32
      "tpu.region"() ({
        %run_scoped3A_112 = tpu.sem_alloc : memref<!tpu.dma_semaphore, #tpu.memory_space<semaphore_mem>>
        %dma_start3A_113 = arith.constant 0 : i32
        %dma_start3A_114 = tpu.memref_slice %arg16[%run_scoped3A, %dma_start3A_113] : memref<1x128xi32, #tpu.memory_space<vmem>> -> memref<1x128xi32, #tpu.memory_space<vmem>>
        %dma_start3A_115 = tpu.memref_squeeze %dma_start3A_114 : memref<1x128xi32, #tpu.memory_space<vmem>> -> memref<128xi32, #tpu.memory_space<vmem>>
        %dma_start3A_116 = arith.constant 0 : i32
        %dma_start3A_117 = arith.constant 0 : i32
        %dma_start3A_118 = tpu.memref_slice %arg20[%dma_start3A_116, %dma_start3A_117] : memref<10112x64xf32, #tpu.memory_space<vmem_shared>> -> memref<10112x64xf32, #tpu.memory_space<vmem_shared>>
        tpu.enqueue_indirect_dma source(%arg18 : memref<128x64xf32, #tpu.memory_space<vmem>>) target(%dma_start3A_118 : memref<10112x64xf32, #tpu.memory_space<vmem_shared>>) offsets(%dma_start3A_115 : memref<128xi32, #tpu.memory_space<vmem>>) semaphore(%run_scoped3A_112 : memref<!tpu.dma_semaphore, #tpu.memory_space<semaphore_mem>>) {add = true}
        %dma_wait3A_119 = arith.constant 0 : i32
        %dma_wait3A_120 = tpu.memref_slice %arg16[%run_scoped3A, %dma_wait3A_119] : memref<1x128xi32, #tpu.memory_space<vmem>> -> memref<1x128xi32, #tpu.memory_space<vmem>>
        %dma_wait3A_121 = tpu.memref_squeeze %dma_wait3A_120 : memref<1x128xi32, #tpu.memory_space<vmem>> -> memref<128xi32, #tpu.memory_space<vmem>>
        %dma_wait3A_122 = arith.constant 0 : i32
        %dma_wait3A_123 = arith.constant 0 : i32
        %dma_wait3A_124 = tpu.memref_slice %arg20[%dma_wait3A_122, %dma_wait3A_123] : memref<10112x64xf32, #tpu.memory_space<vmem_shared>> -> memref<10112x64xf32, #tpu.memory_space<vmem_shared>>
        tpu.wait_indirect_dma semaphore(%run_scoped3A_112 : memref<!tpu.dma_semaphore, #tpu.memory_space<semaphore_mem>>) src(%arg18 : memref<128x64xf32, #tpu.memory_space<vmem>>) dst(%dma_wait3A_124 : memref<10112x64xf32, #tpu.memory_space<vmem_shared>>)
        tpu.yield
      }) : () -> ()
    }
    %sub3A_74 = arith.constant 0 : i32
    %sub3A_75 = arith.subi %select_n3A_53, %sub3A_74 : i32
    %sub3A_76 = arith.constant 1 : i32
    %sub3A_77 = arith.constant 1 : i32
    %sub3A_78 = arith.subi %sub3A_76, %sub3A_77 : i32
    %add3A_79 = arith.addi %sub3A_75, %sub3A_78 : i32
    %div3A_80 = arith.constant 1 : i32
    %div3A_81 = arith.divsi %add3A_79, %div3A_80 : i32
    %while3A_82 = arith.constant 1 : i32
    %while3A_83 = arith.constant 0 : i32
    %while3A_84 = arith.constant 0 : i32
    %while3A_85 = arith.subi %div3A_81, %while3A_84 : i32
    %while3A_86 = arith.addi %while3A_84, %while3A_85 : i32
    %while3A_87 = arith.constant 1 : i32
    %while3A_88 = arith.divsi %while3A_85, %while3A_87 : i32
    %while3A_89 = arith.muli %while3A_88, %while3A_87 : i32
    %while3A_90 = arith.addi %while3A_84, %while3A_89 : i32
    %while3A_91 = arith.constant 1 : i32
    scf.for %while3A_97 = %while3A_84 to %while3A_90 step %while3A_91  : i32 {
      %mul3A_98 = arith.muli %while3A_97, %while3A_82 : i32
      %add3A_99 = arith.addi %while3A_83, %mul3A_98 : i32
      %scan3A = arith.constant 0 : i32
      %scan3A_100 = arith.constant 8 : i32
      %scan3A_101 = arith.addi %scan3A, %scan3A_100 : i32
      %scan3A_102 = arith.constant 1 : i32
      scf.for %scan3A_104 = %scan3A to %scan3A_101 step %scan3A_102  : i32 {
        %mul3A_105 = arith.constant 1 : i32
        %mul3A_106 = arith.muli %scan3A_104, %mul3A_105 : i32
        %add3A_107 = arith.constant 0 : i32
        %add3A_108 = arith.addi %add3A_107, %mul3A_106 : i32
        %mul3A_109 = arith.constant 128 : i32
        %mul3A_110 = arith.muli %add3A_99, %mul3A_109 : i32
        %mul3A_111 = arith.constant 16 : i32
        %mul3A_112 = arith.muli %add3A_108, %mul3A_111 : i32
        %add3A_113 = arith.addi %mul3A_110, %mul3A_112 : i32
        %get3A_114 = arith.index_cast %add3A_113 : i32 to index
        %get3A_115 = tpu.vector_load %arg14[%get3A_114] {strides = array<i32>} : memref<10656xi32, #tpu.memory_space<vmem>>, vector<16xi32>,
        %mul3A_116 = arith.constant 16 : i32
        %mul3A_117 = arith.muli %add3A_108, %mul3A_116 : i32
        %swap3A = arith.constant 0 : i32
        %swap3A_118 = arith.index_cast %swap3A : i32 to index
        %swap3A_119 = arith.index_cast %mul3A_117 : i32 to index
        %swap3A_120 = tpu.vector_load %arg17[%swap3A_118, %swap3A_119] {strides = array<i32>} : memref<1x128xi32, #tpu.memory_space<vmem>>, vector<16xi32>,
        tpu.vector_store %arg17[%swap3A_118, %swap3A_119], %get3A_115 {strides = array<i32>} : memref<1x128xi32, #tpu.memory_space<vmem>>, vector<16xi32>,
      }
      %scan3A_103 = arith.constant 8 : i32
      %run_scoped3A = arith.constant 0 : i32
      "tpu.region"() ({
        %run_scoped3A_104 = tpu.sem_alloc : memref<!tpu.dma_semaphore, #tpu.memory_space<semaphore_mem>>
        %dma_start3A = arith.constant 0 : i32
        %dma_start3A_105 = tpu.memref_slice %arg17[%run_scoped3A, %dma_start3A] : memref<1x128xi32, #tpu.memory_space<vmem>> -> memref<1x128xi32, #tpu.memory_space<vmem>>
        %dma_start3A_106 = tpu.memref_squeeze %dma_start3A_105 : memref<1x128xi32, #tpu.memory_space<vmem>> -> memref<128xi32, #tpu.memory_space<vmem>>
        %dma_start3A_107 = arith.constant 0 : i32
        %dma_start3A_108 = tpu.memref_slice %arg21[%dma_start3A_107] : memref<10112xf32, #tpu.memory_space<vmem_shared>> -> memref<10112xf32, #tpu.memory_space<vmem_shared>>
        tpu.enqueue_indirect_dma source(%arg19 : memref<128xf32, #tpu.memory_space<vmem>>) target(%dma_start3A_108 : memref<10112xf32, #tpu.memory_space<vmem_shared>>) offsets(%dma_start3A_106 : memref<128xi32, #tpu.memory_space<vmem>>) semaphore(%run_scoped3A_104 : memref<!tpu.dma_semaphore, #tpu.memory_space<semaphore_mem>>) {add = true}
        %dma_wait3A = arith.constant 0 : i32
        %dma_wait3A_109 = tpu.memref_slice %arg17[%run_scoped3A, %dma_wait3A] : memref<1x128xi32, #tpu.memory_space<vmem>> -> memref<1x128xi32, #tpu.memory_space<vmem>>
        %dma_wait3A_110 = tpu.memref_squeeze %dma_wait3A_109 : memref<1x128xi32, #tpu.memory_space<vmem>> -> memref<128xi32, #tpu.memory_space<vmem>>
        %dma_wait3A_111 = arith.constant 0 : i32
        %dma_wait3A_112 = tpu.memref_slice %arg21[%dma_wait3A_111] : memref<10112xf32, #tpu.memory_space<vmem_shared>> -> memref<10112xf32, #tpu.memory_space<vmem_shared>>
        tpu.wait_indirect_dma semaphore(%run_scoped3A_104 : memref<!tpu.dma_semaphore, #tpu.memory_space<semaphore_mem>>) src(%arg19 : memref<128xf32, #tpu.memory_space<vmem>>) dst(%dma_wait3A_112 : memref<10112xf32, #tpu.memory_space<vmem_shared>>)
        tpu.yield
      }) : () -> ()
    }
    %while3A_92 = arith.constant 1 : i32
    scf.for %while3A_97 = %while3A_90 to %while3A_86 step %while3A_92  : i32 {
      %mul3A_98 = arith.muli %while3A_97, %while3A_82 : i32
      %add3A_99 = arith.addi %while3A_83, %mul3A_98 : i32
      %scan3A = arith.constant 0 : i32
      %scan3A_100 = arith.constant 8 : i32
      %scan3A_101 = arith.addi %scan3A, %scan3A_100 : i32
      %scan3A_102 = arith.constant 1 : i32
      scf.for %scan3A_104 = %scan3A to %scan3A_101 step %scan3A_102  : i32 {
        %mul3A_105 = arith.constant 1 : i32
        %mul3A_106 = arith.muli %scan3A_104, %mul3A_105 : i32
        %add3A_107 = arith.constant 0 : i32
        %add3A_108 = arith.addi %add3A_107, %mul3A_106 : i32
        %mul3A_109 = arith.constant 128 : i32
        %mul3A_110 = arith.muli %add3A_99, %mul3A_109 : i32
        %mul3A_111 = arith.constant 16 : i32
        %mul3A_112 = arith.muli %add3A_108, %mul3A_111 : i32
        %add3A_113 = arith.addi %mul3A_110, %mul3A_112 : i32
        %get3A_114 = arith.index_cast %add3A_113 : i32 to index
        %get3A_115 = tpu.vector_load %arg14[%get3A_114] {strides = array<i32>} : memref<10656xi32, #tpu.memory_space<vmem>>, vector<16xi32>,
        %mul3A_116 = arith.constant 16 : i32
        %mul3A_117 = arith.muli %add3A_108, %mul3A_116 : i32
        %swap3A = arith.constant 0 : i32
        %swap3A_118 = arith.index_cast %swap3A : i32 to index
        %swap3A_119 = arith.index_cast %mul3A_117 : i32 to index
        %swap3A_120 = tpu.vector_load %arg17[%swap3A_118, %swap3A_119] {strides = array<i32>} : memref<1x128xi32, #tpu.memory_space<vmem>>, vector<16xi32>,
        tpu.vector_store %arg17[%swap3A_118, %swap3A_119], %get3A_115 {strides = array<i32>} : memref<1x128xi32, #tpu.memory_space<vmem>>, vector<16xi32>,
      }
      %scan3A_103 = arith.constant 8 : i32
      %run_scoped3A = arith.constant 0 : i32
      "tpu.region"() ({
        %run_scoped3A_104 = tpu.sem_alloc : memref<!tpu.dma_semaphore, #tpu.memory_space<semaphore_mem>>
        %dma_start3A = arith.constant 0 : i32
        %dma_start3A_105 = tpu.memref_slice %arg17[%run_scoped3A, %dma_start3A] : memref<1x128xi32, #tpu.memory_space<vmem>> -> memref<1x128xi32, #tpu.memory_space<vmem>>
        %dma_start3A_106 = tpu.memref_squeeze %dma_start3A_105 : memref<1x128xi32, #tpu.memory_space<vmem>> -> memref<128xi32, #tpu.memory_space<vmem>>
        %dma_start3A_107 = arith.constant 0 : i32
        %dma_start3A_108 = tpu.memref_slice %arg21[%dma_start3A_107] : memref<10112xf32, #tpu.memory_space<vmem_shared>> -> memref<10112xf32, #tpu.memory_space<vmem_shared>>
        tpu.enqueue_indirect_dma source(%arg19 : memref<128xf32, #tpu.memory_space<vmem>>) target(%dma_start3A_108 : memref<10112xf32, #tpu.memory_space<vmem_shared>>) offsets(%dma_start3A_106 : memref<128xi32, #tpu.memory_space<vmem>>) semaphore(%run_scoped3A_104 : memref<!tpu.dma_semaphore, #tpu.memory_space<semaphore_mem>>) {add = true}
        %dma_wait3A = arith.constant 0 : i32
        %dma_wait3A_109 = tpu.memref_slice %arg17[%run_scoped3A, %dma_wait3A] : memref<1x128xi32, #tpu.memory_space<vmem>> -> memref<1x128xi32, #tpu.memory_space<vmem>>
        %dma_wait3A_110 = tpu.memref_squeeze %dma_wait3A_109 : memref<1x128xi32, #tpu.memory_space<vmem>> -> memref<128xi32, #tpu.memory_space<vmem>>
        %dma_wait3A_111 = arith.constant 0 : i32
        %dma_wait3A_112 = tpu.memref_slice %arg21[%dma_wait3A_111] : memref<10112xf32, #tpu.memory_space<vmem_shared>> -> memref<10112xf32, #tpu.memory_space<vmem_shared>>
        tpu.wait_indirect_dma semaphore(%run_scoped3A_104 : memref<!tpu.dma_semaphore, #tpu.memory_space<semaphore_mem>>) src(%arg19 : memref<128xf32, #tpu.memory_space<vmem>>) dst(%dma_wait3A_112 : memref<10112xf32, #tpu.memory_space<vmem_shared>>)
        tpu.yield
      }) : () -> ()
    }
    %barrier3A_93 = arith.constant 0 : index
    tpu.barrier barrier_id(%barrier3A_93)
    "tpu.region"() ({
      %run_scoped3A = tpu.sem_alloc : memref<!tpu.dma_semaphore, #tpu.memory_space<semaphore_mem>>
      %dma_start3A = arith.constant 0 : i32
      %dma_start3A_97 = tpu.memref_slice %arg10[%arg0, %mul3A_55, %dma_start3A] : memref<2x10112x64xf32, #tpu.memory_space<hbm>> -> memref<1x632x64xf32, #tpu.memory_space<hbm>>
      %dma_start3A_98 = tpu.memref_squeeze %dma_start3A_97 : memref<1x632x64xf32, #tpu.memory_space<hbm>> -> memref<632x64xf32, #tpu.memory_space<hbm>>
      %dma_start3A_99 = arith.constant 0 : i32
      %dma_start3A_100 = tpu.memref_slice %arg20[%mul3A_55, %dma_start3A_99] : memref<10112x64xf32, #tpu.memory_space<vmem_shared>> -> memref<632x64xf32, #tpu.memory_space<vmem_shared>>
      tpu.enqueue_dma source(%dma_start3A_100 : memref<632x64xf32, #tpu.memory_space<vmem_shared>>) target(%dma_start3A_98 : memref<632x64xf32, #tpu.memory_space<hbm>>) target_semaphore(%run_scoped3A : memref<!tpu.dma_semaphore, #tpu.memory_space<semaphore_mem>>)
      %dma_wait3A = arith.constant 0 : i32
      %dma_wait3A_101 = tpu.memref_slice %arg10[%arg0, %mul3A_55, %dma_wait3A] : memref<2x10112x64xf32, #tpu.memory_space<hbm>> -> memref<1x632x64xf32, #tpu.memory_space<hbm>>
      %dma_wait3A_102 = tpu.memref_squeeze %dma_wait3A_101 : memref<1x632x64xf32, #tpu.memory_space<hbm>> -> memref<632x64xf32, #tpu.memory_space<hbm>>
      %dma_wait3A_103 = arith.constant 0 : i32
      %dma_wait3A_104 = tpu.memref_slice %arg20[%mul3A_55, %dma_wait3A_103] : memref<10112x64xf32, #tpu.memory_space<vmem_shared>> -> memref<632x64xf32, #tpu.memory_space<vmem_shared>>
      tpu.wait_dma2 semaphore(%run_scoped3A : memref<!tpu.dma_semaphore, #tpu.memory_space<semaphore_mem>>) src(%dma_wait3A_104 : memref<632x64xf32, #tpu.memory_space<vmem_shared>>) dst(%dma_wait3A_102 : memref<632x64xf32, #tpu.memory_space<hbm>>)
      tpu.yield
    }) : () -> ()
    %mul3A_94 = arith.constant 10112 : i32
    %mul3A_95 = arith.muli %arg0, %mul3A_94 : i32
    %add3A_96 = arith.addi %mul3A_95, %mul3A_55 : i32
    "tpu.region"() ({
      %run_scoped3A = tpu.sem_alloc : memref<!tpu.dma_semaphore, #tpu.memory_space<semaphore_mem>>
      %dma_start3A = tpu.memref_slice %arg11[%add3A_96] : memref<20224xf32, #tpu.memory_space<hbm>> -> memref<632xf32, #tpu.memory_space<hbm>>
      %dma_start3A_97 = tpu.memref_slice %arg21[%mul3A_55] : memref<10112xf32, #tpu.memory_space<vmem_shared>> -> memref<632xf32, #tpu.memory_space<vmem_shared>>
      tpu.enqueue_dma source(%dma_start3A_97 : memref<632xf32, #tpu.memory_space<vmem_shared>>) target(%dma_start3A : memref<632xf32, #tpu.memory_space<hbm>>) target_semaphore(%run_scoped3A : memref<!tpu.dma_semaphore, #tpu.memory_space<semaphore_mem>>)
      %dma_wait3A = tpu.memref_slice %arg11[%add3A_96] : memref<20224xf32, #tpu.memory_space<hbm>> -> memref<632xf32, #tpu.memory_space<hbm>>
      %dma_wait3A_98 = tpu.memref_slice %arg21[%mul3A_55] : memref<10112xf32, #tpu.memory_space<vmem_shared>> -> memref<632xf32, #tpu.memory_space<vmem_shared>>
      tpu.wait_dma2 semaphore(%run_scoped3A : memref<!tpu.dma_semaphore, #tpu.memory_space<semaphore_mem>>) src(%dma_wait3A_98 : memref<632xf32, #tpu.memory_space<vmem_shared>>) dst(%dma_wait3A : memref<632xf32, #tpu.memory_space<hbm>>)
      tpu.yield
    }) : () -> ()
    return
  }
}

module attributes {stable_mosaic.version = 14 : i64} {
  func.func @body(%arg0: memref<10000x128xf32, #tpu.memory_space<vmem>>, %arg1: memref<128x64xf32, #tpu.memory_space<vmem>>, %arg2: memref<10000x64xf32, #tpu.memory_space<vmem>>) attributes {dimension_semantics = [], scalar_prefetch = 0 : i64, scratch_operands = 0 : i64, tpu.core_type = #tpu.core_type<tc>} {
    %get3A = arith.constant 0 : index
    %get3A_0 = arith.constant 0 : index
    %get3A_1 = vector.load %arg0[%get3A, %get3A_0] : memref<10000x128xf32, #tpu.memory_space<vmem>>, vector<10000x128xf32>
    %get3A_2 = arith.constant 0 : index
    %get3A_3 = arith.constant 0 : index
    %get3A_4 = vector.load %arg1[%get3A_2, %get3A_3] : memref<128x64xf32, #tpu.memory_space<vmem>>, vector<128x64xf32>
    %dot_general3A = arith.constant dense<0.000000e+00> : vector<10000x64xf32>
    %dot_general3A_5 = tpu.matmul %get3A_1, %get3A_4, %dot_general3A {dimension_numbers = #tpu.dot_dimension_numbers<[1], [0], [0], [1], [0, 0, 1, 1], [], []>, transpose_lhs_hint = false} : vector<10000x128xf32>, vector<128x64xf32>, vector<10000x64xf32> -> vector<10000x64xf32>
    %swap3A = arith.constant 0 : index
    %swap3A_6 = arith.constant 0 : index
    %swap3A_7 = vector.load %arg2[%swap3A, %swap3A_6] : memref<10000x64xf32, #tpu.memory_space<vmem>>, vector<10000x64xf32>
    tpu.vector_store %arg2[%swap3A, %swap3A_6], %dot_general3A_5 {strides = array<i32>} : memref<10000x64xf32, #tpu.memory_space<vmem>>, vector<10000x64xf32>,
    return
  }
}

module attributes {stable_mosaic.version = 14 : i64} {
  func.func @body(%arg0: memref<2x10112x64xf32, #tpu.memory_space<vmem>>, %arg1: memref<20224xf32, #tpu.memory_space<vmem>>, %arg2: memref<64x16xf32, #tpu.memory_space<vmem>>, %arg3: memref<1x16xf32, #tpu.memory_space<vmem>>) attributes {dimension_semantics = [], scalar_prefetch = 0 : i64, scratch_operands = 0 : i64, tpu.core_type = #tpu.core_type<tc>} {
    %get3A = arith.constant 0 : index
    %get3A_0 = arith.constant 0 : index
    %get3A_1 = arith.constant 0 : index
    %get3A_2 = vector.load %arg0[%get3A, %get3A_0, %get3A_1] : memref<2x10112x64xf32, #tpu.memory_space<vmem>>, vector<1x10000x64xf32>
    %get3A_3 = vector.shape_cast %get3A_2 : vector<1x10000x64xf32> to vector<10000x64xf32>
    %get3A_4 = arith.constant 1 : index
    %get3A_5 = arith.constant 0 : index
    %get3A_6 = arith.constant 0 : index
    %get3A_7 = vector.load %arg0[%get3A_4, %get3A_5, %get3A_6] : memref<2x10112x64xf32, #tpu.memory_space<vmem>>, vector<1x10000x64xf32>
    %get3A_8 = vector.shape_cast %get3A_7 : vector<1x10000x64xf32> to vector<10000x64xf32>
    %add3A = arith.addf %get3A_3, %get3A_8 : vector<10000x64xf32>
    %max3A = arith.constant 0.000000e+00 : f32
    %max3A_9 = vector.broadcast %max3A : f32 to vector<10000x64xf32>
    %max3A_10 = arith.maximumf %add3A, %max3A_9 : vector<10000x64xf32>
    %get3A_11 = arith.constant 0 : index
    %get3A_12 = vector.load %arg1[%get3A_11] : memref<20224xf32, #tpu.memory_space<vmem>>, vector<10000xf32>
    %get3A_13 = arith.constant 10112 : index
    %get3A_14 = vector.load %arg1[%get3A_13] : memref<20224xf32, #tpu.memory_space<vmem>>, vector<10000xf32>
    %add3A_15 = arith.addf %get3A_12, %get3A_14 : vector<10000xf32>
    %reshape3A = vector.shape_cast %add3A_15 : vector<10000xf32> to vector<1x10000xf32>
    %dot_general3A = arith.constant dense<0.000000e+00> : vector<1x64xf32>
    %dot_general3A_16 = tpu.matmul %reshape3A, %max3A_10, %dot_general3A {dimension_numbers = #tpu.dot_dimension_numbers<[1], [0], [0], [1], [0, 0, 1, 1], [], []>, transpose_lhs_hint = false} : vector<1x10000xf32>, vector<10000x64xf32>, vector<1x64xf32> -> vector<1x64xf32>
    %get3A_17 = arith.constant 0 : index
    %get3A_18 = arith.constant 0 : index
    %get3A_19 = vector.load %arg2[%get3A_17, %get3A_18] : memref<64x16xf32, #tpu.memory_space<vmem>>, vector<64x16xf32>
    %dot_general3A_20 = arith.constant dense<0.000000e+00> : vector<1x16xf32>
    %dot_general3A_21 = tpu.matmul %dot_general3A_16, %get3A_19, %dot_general3A_20 {dimension_numbers = #tpu.dot_dimension_numbers<[1], [0], [0], [1], [0, 0, 1, 1], [], []>, transpose_lhs_hint = false} : vector<1x64xf32>, vector<64x16xf32>, vector<1x16xf32> -> vector<1x16xf32>
    %reduce_max3A = arith.constant dense<0xFF800000> : vector<1xf32>
    %reduce_max3A_22 = vector.multi_reduction <maximumf>, %dot_general3A_21, %reduce_max3A [1] : vector<1x16xf32> to vector<1xf32>
    %broadcast_in_dim3A = vector.shape_cast %reduce_max3A_22 : vector<1xf32> to vector<1x1xf32>
    %sub3A = vector.broadcast %broadcast_in_dim3A : vector<1x1xf32> to vector<1x16xf32>
    %sub3A_23 = arith.subf %dot_general3A_21, %sub3A : vector<1x16xf32>
    %exp3A = math.exp %sub3A_23 : vector<1x16xf32>
    %reduce_sum3A = arith.constant dense<0.000000e+00> : vector<1xf32>
    %reduce_sum3A_24 = vector.multi_reduction <add>, %exp3A, %reduce_sum3A [1] : vector<1x16xf32> to vector<1xf32>
    %broadcast_in_dim3A_25 = vector.shape_cast %reduce_sum3A_24 : vector<1xf32> to vector<1x1xf32>
    %div3A = vector.broadcast %broadcast_in_dim3A_25 : vector<1x1xf32> to vector<1x16xf32>
    %div3A_26 = arith.divf %exp3A, %div3A : vector<1x16xf32>
    %swap3A = arith.constant 0 : index
    %swap3A_27 = arith.constant 0 : index
    %swap3A_28 = vector.load %arg3[%swap3A, %swap3A_27] : memref<1x16xf32, #tpu.memory_space<vmem>>, vector<1x16xf32>
    tpu.vector_store %arg3[%swap3A, %swap3A_27], %div3A_26 {strides = array<i32>} : memref<1x16xf32, #tpu.memory_space<vmem>>, vector<1x16xf32>,
    return
  }
}

</mosaic_0001>

<sc_bundles>
// kernel: kernel.6.cloned.1.call-start
scs
__scs_entry_jumppad:
0x0: {  	(pc) =	sbr.rel $0x88, $3  }
0x1: {  	(tag) =	ssettag $0x0;
	lr =	simm.s32 $0x1  }
0x2: {  	[smem:$0x3F98] =	sst lr;
	_ =	strace $0xD0000000  }
0x3: {  	_ = 	snop  }
0x4: {  	_ = 	snop  }
0x5: {  	_ = 	snop  }
0x6: {  	_ = 	snop  }
0x7: {  	_ = 	snop  }
__scs_overlays_trampoline_lowered:
0x8: {  	[smem:$0x3FA7] =	sst s0  }
0x9: {  	[smem:$0x3FA8] =	sst s1  }
0xa: {  	[smem:$0x3FA9] =	sst s2  }
0xb: {  	[smem:$0x3FAA] =	sst s3  }
0xc: {  	[smem:$0x3FAB] =	sst s4  }
0xd: {  	[smem:$0x3FAC] =	sst s5  }
0xe: {  	[smem:$0x3FAD] =	sst s6  }
0xf: {  	[smem:$0x3FAE] =	sst s7  }
0x10: {  	[smem:$0x3FAF] =	sst s8  }
0x11: {  	[smem:$0x3FB0] =	sst s9;
	s0 =	simm.s32 @!p0 $0x0  }
0x12: {  	s1 =	sld [smem:$0x3F96];
	s0 =	simm.s32 @p0 $0x1  }
0x13: {  	[smem:$0x3FB1] =	sst s0;
	s0 =	simm.s32 @!p1 $0x0  }
0x14: {  	s2 =	sld [smem:$0x3F95];
	s0 =	simm.s32 @p1 $0x1  }
0x15: {  	[smem:$0x3FB2] =	sst s0;
	s0 =	simm.s32 @!p2 $0x0  }
0x16: {  	s3 =	sld [smem:$0x3FDB];
	s0 =	simm.s32 @p2 $0x1  }
0x17: {  	s4 =	simm.s32 $0x1BF5;
	[smem:$0x3FB4] =	sst s0  }
0x18: {  	s0 =	sld [smem:$0x3F97];
	_ =	swait.ge [sflag:s4], $0x0  }
0x19: {  	s7 =	sld [smem:$0x3F98]  }
0x1a: {  	s8 =	sadd.s32 $0xFFFFE003, lr  }
0x1b: {  	s9 =	sadd.s32 $0xFFFFFEF7, lr;
	s5 =	simm.s32 $0xFFFFFFFF;
	p2 =	slt.u32 s8, $0xFFFFF086  }
0x1c: {  	p1 =	slt.u32 s9, $0xF7A;
	s5 =	simm.s32 @!p2 $0x0  }
0x1d: {  	s5 =	simm.s32 @p1 $0x1;
	p0 =	seq.s32 s7, s2  }
0x1e: {  	s7 =	smul.u32 @!p0 $0xF7A, s2;
	p2 =	seq.s32 @!p0 s5, $0x0  }
0x1f: {  	s9 =	smul.u32 $0xF7A, s1;
	s8 =	simm.s32 @!p0 $0x1BF5;
	p2 =	por !p2, p0  }
0x20: {  	[sflag:s8] =	ssyncset.s32 @!p0 $0xFFFFF086;
	s6 =	sadd.s32 @!p0 s3, s7;
	s7 =	simm.s32 @!p0 $0x108  }
0x21: {  	s3 =	sadd.s32 s3, s9;
	s6 =	sadd.s32 @!p0 $0x88, s6;
	s7 =	simm.s32 @p2 $0x1082  }
0x22: {  	[simem:s7], [sflag:s8] =	dma.local @!p0 [hbm:s6], $0xF7A  }
0x23: {  	s9 =	sor.u32 $0xD0000000, s2;
	s6 =	simm.s32 $0x108;
	_ =	swait.ge @!p0 [sflag:s8], $0x0  }
0x24: {  	s3 =	sadd.s32 $0x88, s3;
	s6 =	simm.s32 @!p1 $0x1082;
	[sflag:s4] =	ssyncset.s32 $0xFFFFF086  }
0x25: {  	[simem:s6], [sflag:s4] =	dma.local [hbm:s3], $0xF7A  }
0x26: {  	[smem:$0x3F98] =	sst s1;
	(tag) =	ssettag s2;
	_ =	strace s9  }
0x27: {  	s1 =	sld [smem:$0x3FA8]  }
0x28: {  	s2 =	sld [smem:$0x3FA9]  }
0x29: {  	s4 =	sld [smem:$0x3FAB]  }
0x2a: {  	p0 =	seq.s32 s5, $0x0;
	s5 =	sld [smem:$0x3FAC]  }
0x2b: {  	s6 =	sld [smem:$0x3FAD]  }
0x2c: {  	s7 =	sld [smem:$0x3FAE]  }
0x2d: {  	s3 =	simm.s32 $0x108;
	s8 =	sld [smem:$0x3FAF]  }
0x2e: {  	s3 =	simm.s32 @!p0 $0x1082;
	s9 =	sld [smem:$0x3FB0]  }
0x2f: {  	lr =	sadd.s32 s0, s3;
	s0 =	sld [smem:$0x3FA7]  }
0x30: {  	s3 =	sld [smem:$0x3FAA]  }
0x31: {  	[smem:$0x3FB3] =	sst s10  }
0x32: {  	s10 =	sld [smem:$0x3FB1];
	_ =	sdelay $0x3  }
0x33: {  	p0 =	seq.s32 s10, $0x1;
	s10 =	sld [smem:$0x3FB3];
	_ =	sdelay $0x3  }
0x34: {  	[smem:$0x3FB3] =	sst s10  }
0x35: {  	s10 =	sld [smem:$0x3FB2];
	_ =	sdelay $0x3  }
0x36: {  	p1 =	seq.s32 s10, $0x1;
	s10 =	sld [smem:$0x3FB3];
	_ =	sdelay $0x3  }
0x37: {  	[smem:$0x3FB3] =	sst s10  }
0x38: {  	s10 =	sld [smem:$0x3FB4]  }
0x39: {  	_ = 	snop;
	(pc) =	sbr.ind lr, $3  }
0x3a: {  	_ = 	snop  }
0x3b: {  	_ = 	snop  }
0x3c: {  	p2 =	seq.s32 s10, $0x1;
	s10 =	sld [smem:$0x3FB3]  }
0x3d: {  	_ =	shalt  }
0x3e: {  	_ =	shalt  }
0x3f: {  	_ =	shalt  }
0x40: {  	_ =	shalt  }
0x41: {  	_ =	shalt  }
0x42: {  	_ =	shalt  }
0x43: {  	_ =	shalt  }
0x44: {  	_ =	shalt  }
0x45: {  	_ =	shalt  }
0x46: {  	_ =	shalt  }
0x47: {  	_ =	shalt  }
0x48: {  	_ =	shalt  }
0x49: {  	_ =	shalt  }
0x4a: {  	_ =	shalt  }
0x4b: {  	_ =	shalt  }
0x4c: {  	_ =	shalt  }
0x4d: {  	_ =	shalt  }
0x4e: {  	_ =	shalt  }
0x4f: {  	_ =	shalt  }
0x50: {  	_ =	shalt  }
0x51: {  	_ =	shalt  }
0x52: {  	_ =	shalt  }
0x53: {  	_ =	shalt  }
0x54: {  	_ =	shalt  }
0x55: {  	_ =	shalt  }
0x56: {  	_ =	shalt  }
0x57: {  	_ =	shalt  }
0x58: {  	_ =	shalt  }
0x59: {  	_ =	shalt  }
0x5a: {  	_ =	shalt  }
0x5b: {  	_ =	shalt  }
0x5c: {  	_ =	shalt  }
0x5d: {  	_ =	shalt  }
0x5e: {  	_ =	shalt  }
0x5f: {  	_ =	shalt  }
0x60: {  	_ =	shalt  }
0x61: {  	_ =	shalt  }
0x62: {  	_ =	shalt  }
0x63: {  	_ =	shalt  }
0x64: {  	_ =	shalt  }
0x65: {  	_ =	shalt  }
0x66: {  	_ =	shalt  }
0x67: {  	_ =	shalt  }
0x68: {  	_ =	shalt  }
0x69: {  	_ =	shalt  }
0x6a: {  	_ =	shalt  }
0x6b: {  	_ =	shalt  }
0x6c: {  	_ =	shalt  }
0x6d: {  	_ =	shalt  }
0x6e: {  	_ =	shalt  }
0x6f: {  	_ =	shalt  }
0x70: {  	_ =	shalt  }
0x71: {  	_ =	shalt  }
0x72: {  	_ =	shalt  }
0x73: {  	_ =	shalt  }
0x74: {  	_ =	shalt  }
0x75: {  	_ =	shalt  }
0x76: {  	_ =	shalt  }
0x77: {  	_ =	shalt  }
0x78: {  	_ =	shalt  }
0x79: {  	_ =	shalt  }
0x7a: {  	_ =	shalt  }
0x7b: {  	_ =	shalt  }
0x7c: {  	_ =	shalt  }
0x7d: {  	_ =	shalt  }
0x7e: {  	_ =	shalt  }
0x7f: {  	_ =	shalt  }
0x80: {  	_ =	shalt  }
0x81: {  	_ =	shalt  }
0x82: {  	_ =	shalt  }
0x83: {  	_ =	shalt  }
0x84: {  	_ =	shalt  }
0x85: {  	_ =	shalt  }
0x86: {  	_ =	shalt  }
0x87: {  	_ =	shalt  }
.Lfunc_end0:
.L_simem_size_0:
called_computation_lowered:
.L_overlay_start_0:
0x88: {  	s2 =	sld [smem:$0x3FD9]  }
0x89: {  	s3 =	sld [smem:$0x3FFE];
	_ =	sdelay $0x1  }
0x8a: {  	s1 =	srdreg.scid  }
0x8b: {  	s0 =	sand.u32 $0x1, s1  }
0x8c: {  	s14 =	sshll.u32 s0, $0xA;
	s2 =	sadd.s32 s3, s2  }
0x8d: {  	s2 =	sadd.s32 s2, s14  }
0x8e: {  	[smem:$0x3FBF] =	sst s2  }
0x8f: {  	_ = 	snop  }
0x90: {  	s2 =	sld [smem:$0x3FD0]  }
0x91: {  	s15 =	sld [smem:$0x3FC9]  }
0x92: {  	s4 =	sld [smem:$0x3FC7]  }
0x93: {  	s6 =	simm.s32 $0xA;
	s7 =	simm.s32 $0x10;
	s5 =	sld [smem:$0x3FC5]  }
0x94: {  	[smem:s7], [sflag:s6] =	dma.local [hbm:s2], $0x1  }
0x95: {  	_ =	swait.eq [sflag:s6], $0x1  }
0x96: {  	s16 =	sld [smem:$0x10];
	[sflag:s6] =	ssyncset.done $0x0  }
0x97: {  	s17 =	sld [smem:$0x11];
	[sflag:s6] =	ssyncadd.s32 $0xFFFFFFFF  }
0x98: {  	s18 =	sld [smem:$0x12];
	(tm) =	ssettm $0x1  }
0x99: {  	s8 =	sld [smem:$0x3FFB];
	_ =	sdelay $0x3  }
0x9a: {  	_ =	strace s8  }
0x9b: {  	s8 =	sld [smem:$0x3FFC];
	_ =	sdelay $0x3  }
0x9c: {  	_ =	strace s8  }
0x9d: {  	s8 =	sld [smem:$0x3FFD];
	_ =	sdelay $0x3  }
0x9e: {  	_ =	strace s8  }
0x9f: {  	_ =	strace $0x8FFFFFFF  }
0xa0: {  	s19 =	sld [smem:$0x3FDB];
	_ =	sdelay $0x1  }
0xa1: {  	s9 =	simm.s32 $_scs_section_size  }
0xa2: {  	s10 =	simm.s32 $_size__tile_overlayer_lowered;
	s11 =	simm.s32 $_tile_overlayer_lowered  }
0xa3: {  	s22 =	simm.s32 $0x1BFF;
	s21 =	sshll.u32 s11, $0x1;
	s8 =	sadd.s32 s9, s19  }
0xa4: {  	s12 =	simm.s32 $0x0;
	s20 =	sshll.u32 s10, $0x1;
	s10 =	sadd.s32 s21, s8  }
0xa5: {  	[timem:s12], [sflag:s22] =	dma.local [hbm:s10], s20  }
0xa6: {  	_ =	swait.ge [sflag:s22], s20  }
0xa7: {  	s9 =	ssub.s32 $0x0, s20;
	[sflag:s22] =	ssyncset.done $0x0  }
0xa8: {  	[sflag:s22] =	ssyncadd.s32 s9;
	_ =	sdelay $0x1  }
0xa9: {  	s23 =	simm.s32 $0x1B8B  }
0xaa: {  	_ =	swait.ge [sflag:s23], $0x1  }
0xab: {  	[sflag:s23] =	ssyncset.done $0x0  }
0xac: {  	s25 =	simm.s32 $0x1B8E;
	s24 =	sld [smem:$0x3FFE];
	[sflag:s23] =	ssyncadd.s32 $0xFFFFFFFF  }
0xad: {  	s26 =	simm.s32 $execute0_lowered;
	[smem:$0x3FD2] =	sst s25  }
0xae: {  	s10 =	sshll.u32 s26, $0x1;
	_ =	strace $0x80000046;
	[dreg:$0x1] =	wrdreg $0xFFFFFFFF  }
0xaf: {  	s28 =	simm.s32 $_size_execute0_lowered;
	s8 =	sadd.s32 s8, s10;
	[dreg:$0x0] =	wrdreg $0x0  }
0xb0: {  	s10 =	sshll.u32 s28, $0x1;
	[dreg:$0x2] =	wrdreg s8  }
0xb1: {  	[dreg:$0x3] =	wrdreg s10  }
0xb2: {  	[dreg:$0x4] =	wrdreg $0xC0  }
0xb3: {  	_ =	task [dreg:s12], $0x5FFFF  }
0xb4: {  	[dreg:$0x1] =	wrdreg $0xFFFFFFFF  }
0xb5: {  	[dreg:$0x0] =	wrdreg $0x60  }
0xb6: {  	[dreg:$0x2] =	wrdreg s15  }
0xb7: {  	[dreg:$0x3] =	wrdreg s4  }
0xb8: {  	[dreg:$0x4] =	wrdreg s5  }
0xb9: {  	[dreg:$0x5] =	wrdreg s24  }
0xba: {  	[dreg:$0x6] =	wrdreg s16  }
0xbb: {  	[dreg:$0x7] =	wrdreg s17  }
0xbc: {  	[dreg:$0x8] =	wrdreg s18  }
0xbd: {  	[dreg:$0x9] =	wrdreg $0x9  }
0xbe: {  	_ =	task.clear_ibuf [dreg:s12], $0xAFFFF;
	_ =	strace $0x90000046  }
0xbf: {  	s29 =	simm.s32 $0x9;
	_ =	strace $0x80000048  }
0xc0: {  	_ =	swait.ge [sflag:s29], $0x1  }
0xc1: {  	[sflag:s29] =	ssyncadd.s32 $0xFFFFFFFF  }
0xc2: {  	_ =	strace $0x90000048  }
0xc3: {  	_ =	sfence  }
0xc4: {  	s30 =	sld [smem:$0x0];
	_ =	sdelay $0x2  }
0xc5: {  	s31 =	sshll.u32 s1, $0xD;
	s1 =	sshrl.u32 s1, $0x2  }
0xc6: {  	s3 =	sand.u32 $0x4000, s31;
	s1 =	sadd.s32 s1, s30  }
0xc7: {  	s0 =	sor.u32 s3, s0;
	s1 =	sshll.u32 s1, $0x11  }
0xc8: {  	s0 =	sor.u32 s1, s0  }
0xc9: {  	s0 =	sadd.s32 $0x8F2B, s0  }
0xca: {  	[sflag:s0] =	ssyncadd.remote.s32 $0x1  }
0xcb: {  	_ =	sfence.sel $0xFFFF  }
0xcc: {  	[dreg:$0x0] =	wrdreg $0xFFFFFFFF;
	(pc) =	sbr.abs _section_cstart, $3  }
0xcd: {  	[dreg:$0x1] =	wrdreg $0xFFFFFFFF  }
0xce: {  	_ =	task.clear_ibuf [dreg:s12], $0x2FFFF;
	_ =	strace $0x9FFFFFFF  }
0xcf: {  	(tm) =	ssettm $0x7FFFFFFF  }
tec
execute0_lowered:
.L_overlay_start_1:
0x0: {  	(tag) =	ssettag $0x1  }
0x1: {  	s0 =	rddreg [dreg:$0x0]  }
0x2: {  	s1 =	rddreg [dreg:$0x1]  }
0x3: {  	s2 =	rddreg [dreg:$0x2]  }
0x4: {  	s13 =	rddreg [dreg:$0x3]  }
0x5: {  	s16 =	rddreg [dreg:$0x5]  }
0x6: {  	s3 =	srdreg.scid;
	s5 =	stileid.u32  }
0x7: {  	s17 =	rddreg [dreg:$0x6];
	s24 =	simm.s32 $0x1;
	s30 =	simm.s32 $0x0  }
0x8: {  	s4 =	sand.u32 $0x1, s3;
	s5 =	sshll.u32 s5, $0x1;
	s3 =	simm.s32 $0x0  }
0x9: {  	s9 =	sadd.s32 $0x9910, s0;
	s10 =	sadd.s32 $0x9910, s1;
	s11 =	sadd.s32 $0x9910, s2  }
0xa: {  	s12 =	sadd.s32 $0x1F310, s13;
	s23 =	sor.u32 s4, s5;
	[smem:$0x7FF] =	sst s3  }
0xb: {  	s4 =	ssub.s32 $0x2, s4;
	s15 =	smul.u32 $0x4F0, s23;
	_ =	strace $0x80000047  }
0xc: {  	s5 =	smul.u32 $0x534, s23;
	s6 =	sshll.u32 s23, $0x2;
	s7 =	sshrl.u32 s4, $0x1  }
0xd: {  	p0 =	seq.s32 s23, $0x1F;
	s21 =	sadd.s32 s6, s13;
	s22 =	ssub.s32 s4, s7  }
0xe: {  	s8 =	sadd.s32 s15, s13;
	s20 =	sadd.s32 s5, s13;
	s31 =	sadd.s32 s0, s15  }
0xf: {  	s5 =	sadd.s32 s1, s15;
	s6 =	sadd.s32 s2, s15;
	s13 =	sadd.s32 $0xB910, s13  }
0x10: {  	s14 =	sadd.s32 s16, s15;
	s15 =	sadd.s32 s17, s15;
	s16 =	sadd.s32 $0x9910, s16  }
0x11: {  	s17 =	sadd.s32 $0x9910, s17;
	s21 =	sadd.s32 $0x48C00, s21;
	s22 =	smax.u32 s22, $0x1  }
0x12: {  	[dreg:$0x8] =	wrdreg s31;
	s7 =	sadd.s32 $0x15A00, s8;
	s8 =	sadd.s32 $0x2000, s8  }
0x13: {  	v0 =	vlaneseq.u32;
	s18 =	sadd.s32 $0x29400, s20;
	s19 =	sadd.s32 $0x33C00, s20;
	s20 =	sadd.s32 $0x3E400, s20  }
.LBB2_1:
0x14: {  	s0 =	simm.s32 @p0 $0x0;
	s1 =	simm.s32 @p0 $0x1  }
0x15: {  	[tilespmem:s0], [sflag:$0x1] =	stream.linear.gather @p0 [hbm4b:s9+s0], $0x1980, $0x38;
	[tilespmem:$0x19190] =	vst v63  }
0x16: {  	_ =	swait.ge @p0 [sflag:s1], $0x1980  }
0x17: {  	[sflag:s1] =	ssyncset.done @p0 $0x0  }
0x18: {  	s2 =	simm.s32 @p0 $0x2780;
	[sflag:s1] =	ssyncadd.s32 @p0 $0xFFFFE680  }
0x19: {  	[tilespmem:s2], [sflag:$0x1] =	stream.linear.gather @p0 [hbm4b:s10+s0], $0x1980, $0x38;
	[tilespmem:$0x19190] =	vst v63  }
0x1a: {  	_ =	swait.ge @p0 [sflag:s1], $0x1980  }
0x1b: {  	[sflag:s1] =	ssyncset.done @p0 $0x0  }
0x1c: {  	s2 =	simm.s32 @p0 $0x4F00;
	[sflag:s1] =	ssyncadd.s32 @p0 $0xFFFFE680  }
0x1d: {  	[tilespmem:s2], [sflag:$0x1] =	stream.linear.gather @p0 [hbm4b:s11+s0], $0x1980, $0x38;
	[tilespmem:$0x19190] =	vst v63  }
0x1e: {  	_ =	swait.ge @p0 [sflag:s1], $0x1980  }
0x1f: {  	[sflag:s1] =	ssyncset.done @p0 $0x0  }
0x20: {  	s2 =	simm.s32 @p0 $0x7680;
	[sflag:s1] =	ssyncadd.s32 @p0 $0xFFFFE680  }
0x21: {  	[tilespmem:s2], [sflag:$0x1] =	stream.linear.gather @p0 [hbm4b:s12+s0], $0x1980, $0x38;
	[tilespmem:$0x19190] =	vst v63  }
0x22: {  	s23 =	simm.s32 @p0 $0x9E00;
	s2 =	sadd.s32 @p0 $0x9C40, s12  }
0x23: {  	[tilespmem:s23], [sflag:$0x1] =	stream.linear.gather @p0 [hbm4b:s2+s0], $0x1980, $0x38;
	[tilespmem:$0x19190] =	vst v63  }
0x24: {  	_ =	swait.ge @p0 [sflag:s1], $0x3300  }
0x25: {  	[sflag:s1] =	ssyncset.done @p0 $0x0  }
0x26: {  	s2 =	simm.s32 @p0 $0xC580;
	[sflag:s1] =	ssyncadd.s32 @p0 $0xFFFFCD00  }
0x27: {  	[tilespmem:s2], [sflag:$0x1] =	stream.linear.gather @p0 [hbm4b:s13+s0], $0x1980, $0x38;
	[tilespmem:$0x19190] =	vst v63  }
0x28: {  	s23 =	simm.s32 @p0 $0xED00;
	s2 =	sadd.s32 @p0 $0x9C40, s13  }
0x29: {  	[tilespmem:s23], [sflag:$0x1] =	stream.linear.gather @p0 [hbm4b:s2+s0], $0x1980, $0x38;
	[tilespmem:$0x19190] =	vst v63  }
0x2a: {  	_ =	swait.ge @p0 [sflag:s1], $0x3300  }
0x2b: {  	[sflag:s1] =	ssyncset.done @p0 $0x0  }
0x2c: {  	s0 =	simm.s32 @!p0 $0x0;
	[sflag:s1] =	ssyncadd.s32 @p0 $0xFFFFCD00;
	s1 =	rddreg [dreg:$0x8]  }
0x2d: {  	[tilespmem:s0], [sflag:$0x1] =	stream.linear.gather @!p0 [hbm4b:s1+s0], $0x2780, $0x38;
	[tilespmem:$0x19190] =	vst v63  }
0x2e: {  	s1 =	simm.s32 @!p0 $0x1  }
0x2f: {  	_ =	swait.ge @!p0 [sflag:s1], $0x2780  }
0x30: {  	[sflag:s1] =	ssyncset.done @!p0 $0x0  }
0x31: {  	s2 =	simm.s32 @!p0 $0x2780;
	[sflag:s1] =	ssyncadd.s32 @!p0 $0xFFFFD880  }
0x32: {  	[tilespmem:s2], [sflag:$0x1] =	stream.linear.gather @!p0 [hbm4b:s5+s0], $0x2780, $0x38;
	[tilespmem:$0x19190] =	vst v63  }
0x33: {  	_ =	swait.ge @!p0 [sflag:s1], $0x2780  }
0x34: {  	[sflag:s1] =	ssyncset.done @!p0 $0x0  }
0x35: {  	s23 =	simm.s32 @!p0 $0x4F00;
	[sflag:s1] =	ssyncadd.s32 @!p0 $0xFFFFD880  }
0x36: {  	[tilespmem:s23], [sflag:$0x1] =	stream.linear.gather @!p0 [hbm4b:s6+s0], $0x2780, $0x38;
	[tilespmem:$0x19190] =	vst v63  }
0x37: {  	_ =	swait.ge @!p0 [sflag:s1], $0x2780  }
0x38: {  	[sflag:s1] =	ssyncset.done @!p0 $0x0  }
0x39: {  	s0 =	simm.s32 @!p0 $0x4E200;
	s23 =	simm.s32 @!p0 $0x7680;
	[sflag:s1] =	ssyncadd.s32 @!p0 $0xFFFFD880  }
0x3a: {  	[tilespmem:s23], [sflag:$0x1] =	stream.strided.gather @!p0 [hbm4b:s7+s2], $0x4F00, s0, s2, $0x38;
	[tilespmem:$0x19190] =	vst v63  }
0x3b: {  	_ =	swait.ge @!p0 [sflag:s1], $0x4F00  }
0x3c: {  	[sflag:s1] =	ssyncset.done @!p0 $0x0  }
0x3d: {  	s23 =	simm.s32 @!p0 $0xC580;
	[sflag:s1] =	ssyncadd.s32 @!p0 $0xFFFFB100  }
0x3e: {  	[tilespmem:s23], [sflag:$0x1] =	stream.strided.gather @!p0 [hbm4b:s8+s2], $0x4F00, s0, s2, $0x38;
	[tilespmem:$0x19190] =	vst v63  }
0x3f: {  	_ =	swait.ge @!p0 [sflag:s1], $0x4F00  }
0x40: {  	s23 =	simm.s32 @!p0 $0x278;
	[sflag:s1] =	ssyncset.done @!p0 $0x0  }
0x41: {  	s23 =	simm.s32 @p0 $0x198;
	[sflag:s1] =	ssyncadd.s32 @!p0 $0xFFFFB100  }
0x42: {  	s29 =	simm.s32 $0x11480;
	p2 =	sne.s32 s23, $0x1;
	s28 =	rddreg [dreg:$0x4]  }
0x43: {  	[tilespmem:s29], [sflag:$0x1] =	stream.linear.gather [hbm4b:s28+s3], $0x10, $0x38;
	[tilespmem:$0x19190] =	vst v63  }
.Ltmp0:
0x44: {  	_ =	swait.ge [sflag:s24], $0x10;
	(pc) =	sbr.rel @!p2 .LBB2_2-.Ltmp0, $4  }
0x45: {  	[sflag:s24] =	ssyncset.done $0x0  }
0x46: {  	[sflag:s24] =	ssyncadd.s32 $0xFFFFFFF0  }
0x47: {  	s31 =	simm.s32 $0xC580;
	p1 =	por $0x0, $0x0;
	s2 =	simm.s32 $0x2780;
	v1 =	vld [tilespmem:$0x11480]  }
0x48: {  	v2 =	vimm.s32 $0x0;
	s0 =	simm.s32 $0x4F00;
	s23 =	sadd.s32 $0xFFFFFFFF, s23;
	s1 =	simm.s32 $0x7680;
	v6 =	vld [tilespmem:s3+$0x0]  }
0x49: {  	_ =	sdelay $0x3  }
0x4a: {  	v3 =	vsub.f32 $0.0e+00, v6;
	_ =	sdelay $0x1  }
0x4b: {  	v3 =	vmul.f32 $1.442695020e+00, v3;
	_ =	sdelay $0x1  }
0x4c: {  	(erf) = vpow2.f32 v3;
	_ =	sdelay $0x8  }
0x4d: {  	v3 =	vpop (erf)  }
0x4e: {  	v3 =	vadd.f32 $1.000000000e+00, v3;
	_ =	sdelay $0x1  }
0x4f: {  	(erf) = vrcp.f32 v3;
	_ =	sdelay $0x2  }
0x50: {  	(v2sf) =	vpush v2, $0x0;
	_ =	sdelay $0x1  }
0x51: {  	v3 =	vld [tilespmem:s2+$0x0]  }
0x52: {  	v4 =	vld [tilespmem:s0+$0x0];
	_ =	sdelay $0x2  }
0x53: {  	v5 =	vpop (erf)  }
0x54: {  	v3 =	vmul.f32 v5, v3  }
0x55: {  	v4 =	vmul.f32 v5, v4  }
0x56: {  	[tilespmem:s2+$0x0] =	vst v3  }
0x57: {  	[tilespmem:s0+$0x0] =	vst v4  }
0x58: {  	v5 =	vld [tilespmem:s31+$0x2780];
	_ =	sdelay $0x2  }
0x59: {  	(v2sf) =	vpush v2, $0x0  }
0x5a: {  	s25 =	spop (v2sf);
	vm0 =	vgt.f32 v4, $5.000000000e-01  }
0x5b: {  	[tilespmem:s25+$0x11490] =	vst.msk vm0, v5  }
0x5c: {  	v4 =	vld [tilespmem:s31+$0x0];
	_ =	sdelay $0x4  }
0x5d: {  	[tilespmem:s25+$0x13E30] =	vst.msk vm0, v4  }
0x5e: {  	v4 =	vld [tilespmem:s1+$0x0];
	_ =	sdelay $0x1  }
0x5f: {  	v5 =	vld [tilespmem:s1+$0x2780]  }
0x60: {  	p2 =	sne.s32 s23, $0x1  }
.Ltmp1:
0x61: {  	_ = 	snop;
	(pc) =	sbr.rel @!p2 .LBB2_4-.Ltmp1, $4  }
0x62: {  	vm1 =	vgt.f32 v3, $5.000000000e-01;
	vm2 =	veq.s32 v4, v1  }
0x63: {  	s28 =	sadd.s32 $0xFFFFFFFF, s23;
	s26 =	spop (v2sf);
	v3 =	vmpcnt.ones.xlane vm0;
	vm15 =	vmand vm1, vm2  }
0x64: {  	s29 =	simm.s32 $0x10;
	p1 =	por $0x1, $0x1;
	s23 =	simm.s32 $0xC580;
	[tilespmem:s26+$0x167D0] =	vst.msk vm15, v5;
	v5 =	vmpcnt.ones.xlane vm15  }
0x65: {  	v3 =	vadd.s32 v2, v3;
	s25 =	simm.s32 $0x2780;
	s1 =	simm.s32 $0x7690;
	v4 =	vimm.s32 $0x0;
	s26 =	simm.s32 $0x4F00;
	v6 =	vld [tilespmem:s29+$0x0]  }
.LBB2_5:
0x66: {  	v4 =	vadd.s32 v4, v5;
	s25 =	sadd.s32 $0x10, s25;
	s26 =	sadd.s32 $0x10, s26;
	s23 =	sadd.s32 $0x10, s23  }
0x67: {  	p2 =	sne.s32 s28, $0x1;
	s28 =	sadd.s32 $0xFFFFFFFF, s28;
	_ =	sdelay $0x2  }
0x68: {  	v5 =	vsub.f32 $0.0e+00, v6;
	_ =	sdelay $0x1  }
0x69: {  	v5 =	vmul.f32 $1.442695020e+00, v5;
	_ =	sdelay $0x1  }
0x6a: {  	(erf) = vpow2.f32 v5;
	_ =	sdelay $0x8  }
0x6b: {  	v5 =	vpop (erf)  }
0x6c: {  	v5 =	vadd.f32 $1.000000000e+00, v5;
	_ =	sdelay $0x1  }
0x6d: {  	(erf) = vrcp.f32 v5;
	_ =	sdelay $0x2  }
0x6e: {  	(v2sf) =	vpush v3, $0x0;
	_ =	sdelay $0x1  }
0x6f: {  	v5 =	vld [tilespmem:s25+$0x0]  }
0x70: {  	v6 =	vld [tilespmem:s26+$0x0];
	_ =	sdelay $0x2  }
0x71: {  	v7 =	vpop (erf)  }
0x72: {  	v5 =	vmul.f32 v7, v5  }
0x73: {  	v6 =	vmul.f32 v7, v6  }
0x74: {  	[tilespmem:s25+$0x0] =	vst v5  }
0x75: {  	[tilespmem:s26+$0x0] =	vst v6  }
0x76: {  	v7 =	vld [tilespmem:s23+$0x2780];
	_ =	sdelay $0x2  }
0x77: {  	(v2sf) =	vpush v4, $0x0  }
0x78: {  	vm0 =	vgt.f32 v6, $5.000000000e-01;
	s4 =	spop (v2sf)  }
0x79: {  	v6 =	vmpcnt.ones.xlane vm0;
	[tilespmem:s4+$0x11490] =	vst.msk vm0, v7  }
0x7a: {  	v7 =	vld [tilespmem:s23+$0x0]  }
0x7b: {  	v3 =	vadd.s32 v3, v6;
	_ =	sdelay $0x3  }
0x7c: {  	[tilespmem:s4+$0x13E30] =	vst.msk vm0, v7  }
0x7d: {  	v6 =	vld [tilespmem:s1+$0x0]  }
0x7e: {  	v7 =	vld [tilespmem:s1+$0x2780];
	_ =	sdelay $0x2  }
.Ltmp2:
0x7f: {  	(pc) =	sbr.rel @p2 .LBB2_5-.Ltmp2, $4  }
0x80: {  	vm0 =	vgt.f32 v5, $5.000000000e-01;
	vm1 =	veq.s32 v6, v1  }
0x81: {  	vm0 =	vmand vm0, vm1;
	s4 =	spop (v2sf)  }
0x82: {  	s29 =	sadd.s32 $0x10, s29;
	[tilespmem:s4+$0x167D0] =	vst.msk vm0, v7;
	v5 =	vmpcnt.ones.xlane vm0  }
0x83: {  	s1 =	sadd.s32 $0x10, s1;
	v6 =	vld [tilespmem:s29+$0x0]  }
.LBB2_6:
0x84: {  	_ =	sdelay $0x3  }
0x85: {  	v6 =	vsub.f32 $0.0e+00, v6;
	_ =	sdelay $0x1  }
0x86: {  	v6 =	vmul.f32 $1.442695020e+00, v6;
	_ =	sdelay $0x1  }
0x87: {  	(erf) = vpow2.f32 v6;
	_ =	sdelay $0x8  }
0x88: {  	v6 =	vpop (erf)  }
0x89: {  	v6 =	vadd.f32 $1.000000000e+00, v6;
	_ =	sdelay $0x1  }
0x8a: {  	(erf) = vrcp.f32 v6;
	_ =	sdelay $0x2  }
0x8b: {  	s4 =	sadd.s32 @p1 $0x10, s26  }
0x8c: {  	s0 =	smov.u32 @p1 s4  }
0x8d: {  	v6 =	vld [tilespmem:s0+$0x0];
	_ =	sdelay $0x3  }
0x8e: {  	(v2sf) =	vpush v3, $0x0;
	s4 =	sadd.s32 @p1 $0x10, s25;
	v7 =	vpop (erf)  }
0x8f: {  	s2 =	smov.u32 @p1 s4;
	v6 =	vmul.f32 v7, v6  }
0x90: {  	v8 =	vld [tilespmem:s2+$0x0]  }
0x91: {  	vm0 =	vgt.f32 v6, $5.000000000e-01  }
0x92: {  	v4 =	vadd.s32 @p1 v4, v5;
	v5 =	vmpcnt.ones.xlane vm0  }
0x93: {  	v2 =	vpsel p1, v4, v2  }
0x94: {  	(v2sf) =	vpush v2, $0x0;
	v3 =	vadd.s32 v3, v5  }
0x95: {  	v4 =	vmul.f32 v7, v8;
	(v2sf) =	vpush v3, $0x0;
	_ =	sdelay $0x1  }
0x96: {  	s4 =	sadd.s32 @p1 $0x10, s23;
	[tilespmem:s2+$0x0] =	vst v4  }
0x97: {  	s31 =	smov.u32 @p1 s4;
	[tilespmem:s0+$0x0] =	vst v6  }
0x98: {  	v5 =	vld [tilespmem:s31+$0x2780];
	_ =	sdelay $0x3  }
0x99: {  	s28 =	spop (v2sf)  }
0x9a: {  	[tilespmem:s28+$0x11490] =	vst.msk vm0, v5  }
0x9b: {  	v5 =	vld [tilespmem:s31+$0x0];
	_ =	sdelay $0x3  }
0x9c: {  	s29 =	spop (v2sf)  }
0x9d: {  	[tilespmem:s28+$0x13E30] =	vst.msk vm0, v5;
	s31 =	spop (v2sf)  }
0x9e: {  	v5 =	vld [tilespmem:s1+$0x0];
	s25 =	sand.u32 $0xF, s31  }
0x9f: {  	s26 =	sshra.s32 s31, $0x1F;
	p6 =	slt.s32 s31, $0x1;
	p2 =	sne.s32 s25, $0x0  }
0xa0: {  	v6 =	vld [tilespmem:s1+$0x2780];
	s28 =	sshrl.u32 s26, $0x1C;
	p1 =	por !p6, !p2  }
0xa1: {  	s2 =	simm.s32 $0x1;
	s1 =	sadd.s32 s28, s31;
	p1 =	por !p1, !p1  }
0xa2: {  	s1 =	sshra.s32 s1, $0x4;
	s2 =	simm.s32 @!p1 $0x0  }
0xa3: {  	vm14 =	vgt.f32 v4, $5.000000000e-01;
	vm1 =	veq.s32 v5, v1;
	s1 =	ssub.s32 s1, s2  }
0xa4: {  	vm0 =	vmand vm14, vm1;
	s2 =	sshll.u32 s1, $0x6  }
0xa5: {  	[tilespmem:s29+$0x167D0] =	vst.msk vm0, v6;
	s29 =	sshra.s32 s2, $0x2  }
0xa6: {  	s2 =	sadd.s32 $0x11490, s29  }
0xa7: {  	v4 =	vmov s2  }
0xa8: {  	v1 =	vmpcnt.ones.xlane vm0;
	_ =	sdelay $0x1  }
0xa9: {  	[tilespmem:$0x19170] =	vst v3;
	v1 =	vadd.s32 v2, v1  }
0xaa: {  	[tilespmem:$0x19180] =	vst v1;
	s0 =	sshll.u32 s1, $0x4;
	s1 =	simm.s32 $0x0  }
0xab: {  	v5 =	vld.idx.msk [tilespmem:v4+s1+$0x0 ss:$0x1], $0xffff  }
0xac: {  	s31 =	sadd.s32 $0x13E30, s29  }
0xad: {  	v3 =	vbroadcast v3, $0x0;
	v2 =	vmov s31  }
0xae: {  	v6 =	vor.u32 s0, v0  }
0xaf: {  	vm15 =	vlt.s32 v6, v3  }
0xb0: {  	v5 =	vnsel vm15, $0x0, v5  }
0xb1: {  	[tilespmem:v4+s1+$0x0 ss:$0x1] =	vst.idx.msk $0xffff, v5  }
0xb2: {  	v5 =	vld.idx.msk [tilespmem:v2+s1+$0x0 ss:$0x1], $0xffff;
	_ =	sdelay $0x4  }
0xb3: {  	s23 =	simm.s32 $0x80;
	s2 =	simm.s32 $0x40;
	v5 =	vnsel vm15, $0x2710, v5  }
.LBB2_7:
0xb4: {  	[tilespmem:v2+s1+$0x0 ss:$0x1] =	vst.idx.msk $0xffff, v5;
	s1 =	sshra.s32 s2, $0x2  }
0xb5: {  	s0 =	sadd.s32 $0x10, s0;
	s2 =	smov.u32 s23;
	s4 =	sadd.s32 $0x40, s23  }
0xb6: {  	p1 =	seq.s32 s23, $0x840;
	v5 =	vld.idx.msk [tilespmem:v4+s1+$0x0 ss:$0x1], $0xffff;
	_ =	sdelay $0x3  }
0xb7: {  	v6 =	vor.u32 s0, v0  }
0xb8: {  	vm0 =	vlt.s32 v6, v3  }
0xb9: {  	v5 =	vnsel vm0, $0x0, v5  }
0xba: {  	[tilespmem:v4+s1+$0x0 ss:$0x1] =	vst.idx.msk $0xffff, v5  }
0xbb: {  	v5 =	vld.idx.msk [tilespmem:v2+s1+$0x0 ss:$0x1], $0xffff;
	_ =	sdelay $0x1  }
.Ltmp3:
0xbc: {  	(pc) =	sbr.rel @!p1 .LBB2_7-.Ltmp3, $2  }
0xbd: {  	_ =	sdelay $0x2  }
0xbe: {  	s23 =	smov.u32 s4;
	v5 =	vnsel vm0, $0x2710, v5  }
0xbf: {  	(v2sf) =	vpush v1, $0x0;
	_ =	sdelay $0xa  }
0xc0: {  	s2 =	sshra.s32 s2, $0x2;
	[tilespmem:v2+s1+$0x0 ss:$0x1] =	vst.idx.msk $0xffff, v5  }
0xc1: {  	v5 =	vld.idx.msk [tilespmem:v4+s2+$0x0 ss:$0x1], $0xffff;
	_ =	sdelay $0x1  }
0xc2: {  	s0 =	sadd.s32 $0x10, s0  }
0xc3: {  	v6 =	vor.u32 s0, v0;
	s25 =	spop (v2sf)  }
0xc4: {  	vm0 =	vlt.s32 v6, v3;
	s26 =	sand.u32 $0xF, s25  }
0xc5: {  	v3 =	vnsel vm0, $0x0, v5;
	s28 =	sshra.s32 s25, $0x1F;
	p1 =	slt.s32 s25, $0x1;
	p2 =	sne.s32 s26, $0x0  }
0xc6: {  	[tilespmem:v4+s2+$0x0 ss:$0x1] =	vst.idx.msk $0xffff, v3;
	s29 =	sshrl.u32 s28, $0x1C;
	p1 =	por !p1, !p2  }
0xc7: {  	s1 =	simm.s32 $0xFFFFFFFF;
	v3 =	vld.idx.msk [tilespmem:v2+s2+$0x0 ss:$0x1], $0xffff;
	s0 =	sadd.s32 s29, s25;
	p1 =	por !p1, !p1  }
0xc8: {  	s0 =	sshra.s32 s0, $0x4;
	s1 =	simm.s32 @!p1 $0x0  }
0xc9: {  	s31 =	sshll.u32 s0, $0x6;
	s1 =	sshll.u32 s1, $0x6  }
0xca: {  	s1 =	sadd.s32 s1, s31  }
0xcb: {  	s1 =	sshra.s32 s1, $0x2  }
0xcc: {  	v3 =	vnsel vm0, $0x2710, v3;
	s1 =	sadd.s32 $0x167D0, s1  }
0xcd: {  	[tilespmem:v2+s2+$0x0 ss:$0x1] =	vst.idx.msk $0xffff, v3;
	v2 =	vmov s1;
	_ =	sdelay $0x3  }
0xce: {  	s4 =	simm.s32 $0x0;
	s2 =	simm.s32 $0x1  }
0xcf: {  	s2 =	simm.s32 @!p1 $0x0;
	v3 =	vld.idx.msk [tilespmem:v2+s4+$0x0 ss:$0x1], $0xffff  }
0xd0: {  	s0 =	ssub.s32 s0, s2  }
0xd1: {  	v1 =	vbroadcast v1, $0x0;
	s0 =	sshll.u32 s0, $0x4  }
0xd2: {  	v63 =	vor.u32 s0, v0  }
0xd3: {  	vm15 =	vlt.s32 v63, v1  }
0xd4: {  	v3 =	vnsel vm15, $0x2710, v3  }
0xd5: {  	s2 =	simm.s32 $0x80;
	s1 =	simm.s32 $0x10;
	[tilespmem:v2+s4+$0x0 ss:$0x1] =	vst.idx.msk $0xffff, v3  }
.LBB2_9:
0xd6: {  	p1 =	sne.s32 s2, $0x240;
	v3 =	vld.idx.msk [tilespmem:v2+s1+$0x0 ss:$0x1], $0xffff;
	_ =	sdelay $0x2  }
.Ltmp4:
0xd7: {  	s0 =	sadd.s32 $0x10, s0;
	(pc) =	sbr.rel @p1 .LBB2_9-.Ltmp4, $4  }
0xd8: {  	v4 =	vor.u32 s0, v0  }
0xd9: {  	vm0 =	vlt.s32 v4, v1  }
0xda: {  	v3 =	vnsel vm0, $0x2710, v3  }
0xdb: {  	[tilespmem:v2+s1+$0x0 ss:$0x1] =	vst.idx.msk $0xffff, v3;
	s1 =	sshra.s32 s2, $0x2;
	s2 =	sadd.s32 $0x40, s2  }
0xdc: {  	_ =	sdelay $0x3  }
0xdd: {  	v3 =	vld.idx.msk [tilespmem:v2+s1+$0x0 ss:$0x1], $0xffff;
	_ =	sdelay $0x1  }
0xde: {  	s0 =	sadd.s32 $0x10, s0  }
0xdf: {  	v4 =	vor.u32 s0, v0  }
0xe0: {  	vm0 =	vlt.s32 v4, v1  }
0xe1: {  	v1 =	vnsel vm0, $0x2710, v3  }
0xe2: {  	s0 =	simm.s32 @p0 $0x0;
	[tilespmem:v2+s1+$0x0 ss:$0x1] =	vst.idx.msk $0xffff, v1;
	s1 =	simm.s32 @p0 $0x2780  }
0xe3: {  	[hbm4b:s16+s0] =	stream.linear.scatter @p0 [tilespmem:s1], [sflag:$0x1], $0x1980, $0x38;
	[tilespmem:$0x19190] =	vst v63  }
0xe4: {  	s1 =	simm.s32 @p0 $0x1  }
0xe5: {  	_ =	swait.ge @p0 [sflag:s1], $0x1980  }
0xe6: {  	[sflag:s1] =	ssyncset.done @p0 $0x0  }
0xe7: {  	s2 =	simm.s32 @p0 $0x4F00;
	[sflag:s1] =	ssyncadd.s32 @p0 $0xFFFFE680  }
0xe8: {  	[hbm4b:s17+s0] =	stream.linear.scatter @p0 [tilespmem:s2], [sflag:$0x1], $0x1980, $0x38;
	[tilespmem:$0x19190] =	vst v63  }
0xe9: {  	_ =	swait.ge @p0 [sflag:s1], $0x1980  }
0xea: {  	[sflag:s1] =	ssyncset.done @p0 $0x0  }
0xeb: {  	s0 =	simm.s32 @!p0 $0x0;
	[sflag:s1] =	ssyncadd.s32 @p0 $0xFFFFE680;
	s1 =	simm.s32 @!p0 $0x2780  }
0xec: {  	[hbm4b:s14+s0] =	stream.linear.scatter @!p0 [tilespmem:s1], [sflag:$0x1], $0x2780, $0x38;
	[tilespmem:$0x19190] =	vst v63  }
0xed: {  	s1 =	simm.s32 @!p0 $0x1  }
0xee: {  	_ =	swait.ge @!p0 [sflag:s1], $0x2780  }
0xef: {  	[sflag:s1] =	ssyncset.done @!p0 $0x0  }
0xf0: {  	s2 =	simm.s32 @!p0 $0x4F00;
	[sflag:s1] =	ssyncadd.s32 @!p0 $0xFFFFD880  }
0xf1: {  	[hbm4b:s15+s0] =	stream.linear.scatter @!p0 [tilespmem:s2], [sflag:$0x1], $0x2780, $0x38;
	[tilespmem:$0x19190] =	vst v63  }
0xf2: {  	_ =	swait.ge @!p0 [sflag:s1], $0x2780  }
0xf3: {  	[sflag:s1] =	ssyncset.done @!p0 $0x0  }
0xf4: {  	s26 =	simm.s32 $0x11490;
	[sflag:s1] =	ssyncadd.s32 @!p0 $0xFFFFD880  }
0xf5: {  	[hbm4b:s18+s3] =	stream.linear.scatter [tilespmem:s26], [sflag:$0x1], $0x29A0, $0x38;
	[tilespmem:$0x19190] =	vst v63  }
0xf6: {  	_ =	swait.ge [sflag:s24], $0x29A0  }
0xf7: {  	[sflag:s24] =	ssyncset.done $0x0  }
0xf8: {  	s28 =	simm.s32 $0x13E30;
	[sflag:s24] =	ssyncadd.s32 $0xFFFFD660  }
0xf9: {  	[hbm4b:s19+s3] =	stream.linear.scatter [tilespmem:s28], [sflag:$0x1], $0x29A0, $0x38;
	[tilespmem:$0x19190] =	vst v63  }
0xfa: {  	_ =	swait.ge [sflag:s24], $0x29A0  }
0xfb: {  	[sflag:s24] =	ssyncset.done $0x0  }
0xfc: {  	s29 =	simm.s32 $0x167D0;
	[sflag:s24] =	ssyncadd.s32 $0xFFFFD660  }
0xfd: {  	[hbm4b:s20+s3] =	stream.linear.scatter [tilespmem:s29], [sflag:$0x1], $0x29A0, $0x38;
	[tilespmem:$0x19190] =	vst v63  }
0xfe: {  	_ =	swait.ge [sflag:s24], $0x29A0  }
0xff: {  	s30 =	sadd.s32 $0x1, s30;
	[sflag:s24] =	ssyncset.done $0x0  }
0x100: {  	s31 =	simm.s32 $0x19170;
	p1 =	sne.s32 s30, s22;
	[sflag:s24] =	ssyncadd.s32 $0xFFFFD660  }
0x101: {  	[hbm4b:s21+s3] =	stream.linear.scatter [tilespmem:s31], [sflag:$0x1], $0x20, $0x38;
	[tilespmem:$0x19190] =	vst v63  }
.Ltmp5:
0x102: {  	_ = 	snop;
	(pc) =	sbr.rel @p1 .LBB2_1-.Ltmp5, $4  }
.Ltmp6:
0x103: {  	_ = 	snop;
	(pc) =	sbr.rel @!p1 .LBB2_11-.Ltmp6, $4  }
0x104: {  	_ =	swait.ge [sflag:s24], $0x20  }
0x105: {  	[sflag:s24] =	ssyncset.done $0x0  }
0x106: {  	[sflag:s24] =	ssyncadd.s32 $0xFFFFFFE0  }
0x107: {  	_ = 	snop  }
.LBB2_2:
.Ltmp7:
0x108: {  	(pc) =	sbr.rel .LBB2_6-.Ltmp7, $2  }
0x109: {  	_ =	sdelay $0x2  }
0x10a: {  	v4 =	vimm.s32 $0x0;
	s25 =	simm.s32 $0x2780;
	s26 =	simm.s32 $0x4F00;
	s23 =	simm.s32 $0xC580;
	v3 =	vimm.s32 $0x0  }
.LBB2_4:
.Ltmp8:
0x10b: {  	(pc) =	sbr.rel .LBB2_6-.Ltmp8, $2  }
0x10c: {  	_ =	sdelay $0x2  }
0x10d: {  	v4 =	vimm.s32 $0x0;
	s25 =	simm.s32 $0x2780;
	s26 =	simm.s32 $0x4F00;
	s23 =	simm.s32 $0xC580  }
.LBB2_11:
0x10e: {  	_ =	sfence.sel $0x180000  }
0x10f: {  	[bflag:$0x0] =	sbarrier.arrive $0xFFFF  }
0x110: {  	_ =	strace $0x90000047  }
0x111: {  	s0 =	stileid.u32;
	[bflag:$0x2] =	sbarrier.arrive $0xFFFF  }
0x112: {  	p0 =	sne.s32 s0, $0x0;
	s0 =	rddreg [dreg:$0x7]  }
0x113: {  	s0 =	sadd.s32 @!p0 $0x100000, s0  }
0x114: {  	[sflag:s0] =	ssyncadd.tile.s32 @!p0 $0x1;
	_ =	shalt  }
.Lfunc_end2:
_tile_overlayer_lowered:
.L_overlay_start_2:
0x115: {  	(tag) =	ssettag $0x2  }
0x116: {  	s0 =	rddreg [dreg:$0x0];
	s2 =	stileid.u32  }
0x117: {  	s1 =	rddreg [dreg:$0x1];
	p0 =	sne.s32 s2, $0x0  }
0x118: {  	s3 =	rddreg [dreg:$0x2];
	[bflag:$0x3] =	sbarrier.arrive $0xFFFF;
	s2 =	simm.s32 @!p0 $0x1C01  }
0x119: {  	[timem:s3], [sflag:s2] =	dma.local @!p0 [hbm:s0], s1  }
0x11a: {  	s0 =	simm.s32 @!p0 $0x1  }
0x11b: {  	_ =	swait.ge @!p0 [sflag:s0], s1  }
0x11c: {  	s1 =	ssub.s32 @!p0 $0x0, s1;
	[sflag:s0] =	ssyncset.done @!p0 $0x0  }
0x11d: {  	[sflag:s0] =	ssyncadd.s32 @!p0 s1  }
0x11e: {  	[bflag:$0x3] =	sbarrier.arrive $0xFFFF  }
0x11f: {  	_ =	shalt  }

// kernel: kernel.9.cloned.1.call-start
scs
__scs_entry_jumppad:
0x0: {  	(pc) =	sbr.rel $0x88, $3  }
0x1: {  	(tag) =	ssettag $0x0;
	lr =	simm.s32 $0x1  }
0x2: {  	[smem:$0x3F98] =	sst lr;
	_ =	strace $0xD0000000  }
0x3: {  	_ = 	snop  }
0x4: {  	_ = 	snop  }
0x5: {  	_ = 	snop  }
0x6: {  	_ = 	snop  }
0x7: {  	_ = 	snop  }
__scs_overlays_trampoline_lowered:
0x8: {  	[smem:$0x3FA7] =	sst s0  }
0x9: {  	[smem:$0x3FA8] =	sst s1  }
0xa: {  	[smem:$0x3FA9] =	sst s2  }
0xb: {  	[smem:$0x3FAA] =	sst s3  }
0xc: {  	[smem:$0x3FAB] =	sst s4  }
0xd: {  	[smem:$0x3FAC] =	sst s5  }
0xe: {  	[smem:$0x3FAD] =	sst s6  }
0xf: {  	[smem:$0x3FAE] =	sst s7  }
0x10: {  	[smem:$0x3FAF] =	sst s8  }
0x11: {  	[smem:$0x3FB0] =	sst s9;
	s0 =	simm.s32 @!p0 $0x0  }
0x12: {  	s1 =	sld [smem:$0x3F96];
	s0 =	simm.s32 @p0 $0x1  }
0x13: {  	[smem:$0x3FB1] =	sst s0;
	s0 =	simm.s32 @!p1 $0x0  }
0x14: {  	s2 =	sld [smem:$0x3F95];
	s0 =	simm.s32 @p1 $0x1  }
0x15: {  	[smem:$0x3FB2] =	sst s0;
	s0 =	simm.s32 @!p2 $0x0  }
0x16: {  	s3 =	sld [smem:$0x3FDB];
	s0 =	simm.s32 @p2 $0x1  }
0x17: {  	s4 =	simm.s32 $0x1BF5;
	[smem:$0x3FB4] =	sst s0  }
0x18: {  	s0 =	sld [smem:$0x3F97];
	_ =	swait.ge [sflag:s4], $0x0  }
0x19: {  	s7 =	sld [smem:$0x3F98]  }
0x1a: {  	s8 =	sadd.s32 $0xFFFFE003, lr  }
0x1b: {  	s9 =	sadd.s32 $0xFFFFFEF7, lr;
	s5 =	simm.s32 $0xFFFFFFFF;
	p2 =	slt.u32 s8, $0xFFFFF086  }
0x1c: {  	p1 =	slt.u32 s9, $0xF7A;
	s5 =	simm.s32 @!p2 $0x0  }
0x1d: {  	s5 =	simm.s32 @p1 $0x1;
	p0 =	seq.s32 s7, s2  }
0x1e: {  	s7 =	smul.u32 @!p0 $0xF7A, s2;
	p2 =	seq.s32 @!p0 s5, $0x0  }
0x1f: {  	s9 =	smul.u32 $0xF7A, s1;
	s8 =	simm.s32 @!p0 $0x1BF5;
	p2 =	por !p2, p0  }
0x20: {  	[sflag:s8] =	ssyncset.s32 @!p0 $0xFFFFF086;
	s6 =	sadd.s32 @!p0 s3, s7;
	s7 =	simm.s32 @!p0 $0x108  }
0x21: {  	s3 =	sadd.s32 s3, s9;
	s6 =	sadd.s32 @!p0 $0x88, s6;
	s7 =	simm.s32 @p2 $0x1082  }
0x22: {  	[simem:s7], [sflag:s8] =	dma.local @!p0 [hbm:s6], $0xF7A  }
0x23: {  	s9 =	sor.u32 $0xD0000000, s2;
	s6 =	simm.s32 $0x108;
	_ =	swait.ge @!p0 [sflag:s8], $0x0  }
0x24: {  	s3 =	sadd.s32 $0x88, s3;
	s6 =	simm.s32 @!p1 $0x1082;
	[sflag:s4] =	ssyncset.s32 $0xFFFFF086  }
0x25: {  	[simem:s6], [sflag:s4] =	dma.local [hbm:s3], $0xF7A  }
0x26: {  	[smem:$0x3F98] =	sst s1;
	(tag) =	ssettag s2;
	_ =	strace s9  }
0x27: {  	s1 =	sld [smem:$0x3FA8]  }
0x28: {  	s2 =	sld [smem:$0x3FA9]  }
0x29: {  	s4 =	sld [smem:$0x3FAB]  }
0x2a: {  	p0 =	seq.s32 s5, $0x0;
	s5 =	sld [smem:$0x3FAC]  }
0x2b: {  	s6 =	sld [smem:$0x3FAD]  }
0x2c: {  	s7 =	sld [smem:$0x3FAE]  }
0x2d: {  	s3 =	simm.s32 $0x108;
	s8 =	sld [smem:$0x3FAF]  }
0x2e: {  	s3 =	simm.s32 @!p0 $0x1082;
	s9 =	sld [smem:$0x3FB0]  }
0x2f: {  	lr =	sadd.s32 s0, s3;
	s0 =	sld [smem:$0x3FA7]  }
0x30: {  	s3 =	sld [smem:$0x3FAA]  }
0x31: {  	[smem:$0x3FB3] =	sst s10  }
0x32: {  	s10 =	sld [smem:$0x3FB1];
	_ =	sdelay $0x3  }
0x33: {  	p0 =	seq.s32 s10, $0x1;
	s10 =	sld [smem:$0x3FB3];
	_ =	sdelay $0x3  }
0x34: {  	[smem:$0x3FB3] =	sst s10  }
0x35: {  	s10 =	sld [smem:$0x3FB2];
	_ =	sdelay $0x3  }
0x36: {  	p1 =	seq.s32 s10, $0x1;
	s10 =	sld [smem:$0x3FB3];
	_ =	sdelay $0x3  }
0x37: {  	[smem:$0x3FB3] =	sst s10  }
0x38: {  	s10 =	sld [smem:$0x3FB4]  }
0x39: {  	_ = 	snop;
	(pc) =	sbr.ind lr, $3  }
0x3a: {  	_ = 	snop  }
0x3b: {  	_ = 	snop  }
0x3c: {  	p2 =	seq.s32 s10, $0x1;
	s10 =	sld [smem:$0x3FB3]  }
0x3d: {  	_ =	shalt  }
0x3e: {  	_ =	shalt  }
0x3f: {  	_ =	shalt  }
0x40: {  	_ =	shalt  }
0x41: {  	_ =	shalt  }
0x42: {  	_ =	shalt  }
0x43: {  	_ =	shalt  }
0x44: {  	_ =	shalt  }
0x45: {  	_ =	shalt  }
0x46: {  	_ =	shalt  }
0x47: {  	_ =	shalt  }
0x48: {  	_ =	shalt  }
0x49: {  	_ =	shalt  }
0x4a: {  	_ =	shalt  }
0x4b: {  	_ =	shalt  }
0x4c: {  	_ =	shalt  }
0x4d: {  	_ =	shalt  }
0x4e: {  	_ =	shalt  }
0x4f: {  	_ =	shalt  }
0x50: {  	_ =	shalt  }
0x51: {  	_ =	shalt  }
0x52: {  	_ =	shalt  }
0x53: {  	_ =	shalt  }
0x54: {  	_ =	shalt  }
0x55: {  	_ =	shalt  }
0x56: {  	_ =	shalt  }
0x57: {  	_ =	shalt  }
0x58: {  	_ =	shalt  }
0x59: {  	_ =	shalt  }
0x5a: {  	_ =	shalt  }
0x5b: {  	_ =	shalt  }
0x5c: {  	_ =	shalt  }
0x5d: {  	_ =	shalt  }
0x5e: {  	_ =	shalt  }
0x5f: {  	_ =	shalt  }
0x60: {  	_ =	shalt  }
0x61: {  	_ =	shalt  }
0x62: {  	_ =	shalt  }
0x63: {  	_ =	shalt  }
0x64: {  	_ =	shalt  }
0x65: {  	_ =	shalt  }
0x66: {  	_ =	shalt  }
0x67: {  	_ =	shalt  }
0x68: {  	_ =	shalt  }
0x69: {  	_ =	shalt  }
0x6a: {  	_ =	shalt  }
0x6b: {  	_ =	shalt  }
0x6c: {  	_ =	shalt  }
0x6d: {  	_ =	shalt  }
0x6e: {  	_ =	shalt  }
0x6f: {  	_ =	shalt  }
0x70: {  	_ =	shalt  }
0x71: {  	_ =	shalt  }
0x72: {  	_ =	shalt  }
0x73: {  	_ =	shalt  }
0x74: {  	_ =	shalt  }
0x75: {  	_ =	shalt  }
0x76: {  	_ =	shalt  }
0x77: {  	_ =	shalt  }
0x78: {  	_ =	shalt  }
0x79: {  	_ =	shalt  }
0x7a: {  	_ =	shalt  }
0x7b: {  	_ =	shalt  }
0x7c: {  	_ =	shalt  }
0x7d: {  	_ =	shalt  }
0x7e: {  	_ =	shalt  }
0x7f: {  	_ =	shalt  }
0x80: {  	_ =	shalt  }
0x81: {  	_ =	shalt  }
0x82: {  	_ =	shalt  }
0x83: {  	_ =	shalt  }
0x84: {  	_ =	shalt  }
0x85: {  	_ =	shalt  }
0x86: {  	_ =	shalt  }
0x87: {  	_ =	shalt  }
.Lfunc_end0:
.L_simem_size_0:
called_computation.1_lowered:
.L_overlay_start_0:
0x88: {  	s2 =	sld [smem:$0x3FD9]  }
0x89: {  	s3 =	sld [smem:$0x3FFE];
	_ =	sdelay $0x1  }
0x8a: {  	s1 =	srdreg.scid  }
0x8b: {  	s0 =	sand.u32 $0x1, s1  }
0x8c: {  	s14 =	sshll.u32 s0, $0xA;
	s2 =	sadd.s32 s3, s2  }
0x8d: {  	s2 =	sadd.s32 s2, s14  }
0x8e: {  	[smem:$0x3FBF] =	sst s2  }
0x8f: {  	_ = 	snop  }
0x90: {  	s2 =	sld [smem:$0x3FD0];
	_ =	sdelay $0x2  }
0x91: {  	s15 =	simm.s32 $0xA;
	s4 =	simm.s32 $0x10  }
0x92: {  	[smem:s4], [sflag:s15] =	dma.local [hbm:s2], $0x1  }
0x93: {  	_ =	swait.eq [sflag:s15], $0x1  }
0x94: {  	[sflag:s15] =	ssyncset.done $0x0  }
0x95: {  	[sflag:s15] =	ssyncadd.s32 $0xFFFFFFFF  }
0x96: {  	s16 =	sld [smem:$0x10];
	(tm) =	ssettm $0x1  }
0x97: {  	s17 =	sld [smem:$0x3FFB];
	_ =	sdelay $0x3  }
0x98: {  	_ =	strace s17  }
0x99: {  	s3 =	sld [smem:$0x3FFC];
	_ =	sdelay $0x3  }
0x9a: {  	_ =	strace s3  }
0x9b: {  	s3 =	sld [smem:$0x3FFD];
	_ =	sdelay $0x3  }
0x9c: {  	_ =	strace s3  }
0x9d: {  	_ =	strace $0x8FFFFFFF  }
0x9e: {  	s18 =	sld [smem:$0x3FDB];
	_ =	sdelay $0x1  }
0x9f: {  	s19 =	simm.s32 $_scs_section_size  }
0xa0: {  	s5 =	simm.s32 $_size__tile_overlayer_lowered;
	s6 =	simm.s32 $_tile_overlayer_lowered  }
0xa1: {  	s22 =	simm.s32 $0x1BFF;
	s21 =	sshll.u32 s6, $0x1;
	s3 =	sadd.s32 s19, s18  }
0xa2: {  	s7 =	simm.s32 $0x0;
	s20 =	sshll.u32 s5, $0x1;
	s5 =	sadd.s32 s21, s3  }
0xa3: {  	[timem:s7], [sflag:s22] =	dma.local [hbm:s5], s20  }
0xa4: {  	_ =	swait.ge [sflag:s22], s20  }
0xa5: {  	s4 =	ssub.s32 $0x0, s20;
	[sflag:s22] =	ssyncset.done $0x0  }
0xa6: {  	[sflag:s22] =	ssyncadd.s32 s4;
	_ =	sdelay $0x1  }
0xa7: {  	s23 =	simm.s32 $0x1B8B  }
0xa8: {  	_ =	swait.ge [sflag:s23], $0x1  }
0xa9: {  	[sflag:s23] =	ssyncset.done $0x0  }
0xaa: {  	s25 =	simm.s32 $0x1B8E;
	s24 =	sld [smem:$0x3FFE];
	[sflag:s23] =	ssyncadd.s32 $0xFFFFFFFF  }
0xab: {  	s26 =	simm.s32 $execute0_lowered;
	[smem:$0x3FD2] =	sst s25  }
0xac: {  	s5 =	sshll.u32 s26, $0x1;
	_ =	strace $0x80000049;
	[dreg:$0x1] =	wrdreg $0xFFFFFFFF  }
0xad: {  	s28 =	simm.s32 $_size_execute0_lowered;
	s3 =	sadd.s32 s3, s5;
	[dreg:$0x0] =	wrdreg $0x0  }
0xae: {  	s5 =	sshll.u32 s28, $0x1;
	[dreg:$0x2] =	wrdreg s3  }
0xaf: {  	[dreg:$0x3] =	wrdreg s5  }
0xb0: {  	[dreg:$0x4] =	wrdreg $0xC0  }
0xb1: {  	_ =	task [dreg:s7], $0x5FFFF  }
0xb2: {  	[dreg:$0x1] =	wrdreg $0xFFFFFFFF  }
0xb3: {  	[dreg:$0x0] =	wrdreg $0x60  }
0xb4: {  	[dreg:$0x2] =	wrdreg s24  }
0xb5: {  	[dreg:$0x3] =	wrdreg s16  }
0xb6: {  	[dreg:$0x4] =	wrdreg $0x9E800  }
0xb7: {  	[dreg:$0x5] =	wrdreg $0x13C800  }
0xb8: {  	[dreg:$0x6] =	wrdreg $0x9  }
0xb9: {  	_ =	task.clear_ibuf [dreg:s7], $0x7FFFF;
	_ =	strace $0x90000049  }
0xba: {  	s29 =	simm.s32 $0x9;
	_ =	strace $0x8000004B  }
0xbb: {  	_ =	swait.ge [sflag:s29], $0x1  }
0xbc: {  	[sflag:s29] =	ssyncadd.s32 $0xFFFFFFFF  }
0xbd: {  	_ =	strace $0x9000004B  }
0xbe: {  	_ =	sfence  }
0xbf: {  	s30 =	sld [smem:$0x0];
	_ =	sdelay $0x2  }
0xc0: {  	s31 =	sshll.u32 s1, $0xD;
	s1 =	sshrl.u32 s1, $0x2  }
0xc1: {  	s3 =	sand.u32 $0x4000, s31;
	s1 =	sadd.s32 s1, s30  }
0xc2: {  	s0 =	sor.u32 s3, s0;
	s1 =	sshll.u32 s1, $0x11  }
0xc3: {  	s0 =	sor.u32 s1, s0  }
0xc4: {  	s0 =	sadd.s32 $0x8F2B, s0  }
0xc5: {  	[sflag:s0] =	ssyncadd.remote.s32 $0x1  }
0xc6: {  	_ =	sfence.sel $0xFFFF  }
0xc7: {  	[dreg:$0x0] =	wrdreg $0xFFFFFFFF;
	(pc) =	sbr.abs _section_cstart, $3  }
0xc8: {  	[dreg:$0x1] =	wrdreg $0xFFFFFFFF  }
0xc9: {  	_ =	task.clear_ibuf [dreg:s7], $0x2FFFF;
	_ =	strace $0x9FFFFFFF  }
0xca: {  	(tm) =	ssettm $0x7FFFFFFF  }
0xcb: {  	_ =	shalt  }
tec
execute0_lowered:
.L_overlay_start_1:
0x0: {  	(tag) =	ssettag $0x1  }
0x1: {  	s0 =	rddreg [dreg:$0x0]  }
0x2: {  	s1 =	srdreg.scid;
	s3 =	rddreg [dreg:$0x2]  }
0x3: {  	s6 =	stileid.u32;
	s4 =	rddreg [dreg:$0x3]  }
0x4: {  	s5 =	simm.s32 $0x0;
	s19 =	simm.s32 $0x2;
	s20 =	simm.s32 $0x1  }
0x5: {  	s22 =	simm.s32 $0x5340;
	s23 =	simm.s32 $0x9E00;
	s24 =	simm.s32 $0x80  }
0x6: {  	s25 =	simm.s32 $0x7E00;
	s26 =	simm.s32 $0x7D00;
	s28 =	simm.s32 $0x7D80  }
0x7: {  	s29 =	simm.s32 $0x0;
	s1 =	sand.u32 $0x1, s1;
	s13 =	smul.u32 $0x9E00, s6  }
0x8: {  	s2 =	sshll.u32 s6, $0x1;
	[smem:$0x7FF] =	sst s5;
	s14 =	smul.u32 $0x278, s6  }
0x9: {  	s6 =	sadd.s32 $0x48E00, s0;
	s8 =	sadd.s32 $0x3400, s0;
	s9 =	smul.u32 $0x9E000, s1  }
0xa: {  	s2 =	sor.u32 s1, s2;
	_ =	strace $0x8000004A;
	s10 =	smul.u32 $0x2780, s1  }
0xb: {  	s1 =	ssub.s32 $0x2, s1;
	s7 =	smul.u32 $0x534, s2;
	s2 =	sshll.u32 s2, $0x2  }
0xc: {  	s31 =	sshrl.u32 s1, $0x1;
	s2 =	sadd.s32 s2, s0;
	s9 =	sadd.s32 s13, s9  }
0xd: {  	s10 =	sadd.s32 s14, s10;
	s1 =	ssub.s32 s1, s31;
	s13 =	sadd.s32 s13, s3  }
.Ltmp0:
0xe: {  	s14 =	sadd.s32 s14, s4;
	s12 =	sadd.s32 s7, s0;
	(pc) =	sbr.rel .LBB2_1-.Ltmp0, $4  }
0xf: {  	s7 =	sadd.s32 $0x2000, s0;
	s9 =	sshrl.u32 s9, $0x3;
	s10 =	sshrl.u32 s10, $0x3  }
0x10: {  	s17 =	smax.u32 s1, $0x1;
	s15 =	sadd.s32 s9, s0;
	s0 =	sadd.s32 s10, s0  }
0x11: {  	s9 =	sadd.s32 $0x48C00, s2;
	s10 =	sadd.s32 $0x29400, s12;
	s11 =	sadd.s32 $0x33C00, s12  }
0x12: {  	s12 =	sadd.s32 $0x3E400, s12;
	s15 =	sadd.s32 $0x5C800, s15;
	s16 =	sadd.s32 $0x3600, s0  }
.LBB2_5:
0x13: {  	[sflag:s19] =	ssyncadd.s32 $0xFFFFFF80  }
.LBB2_6:
0x14: {  	[bflag:$0x0] =	sbarrier.arrive $0xFFFF  }
0x15: {  	[hbm:s15], [sflag:s30] =	dma.local [spmem:s31], $0x13C0  }
0x16: {  	s29 =	sadd.s32 $0x1, s29;
	_ =	swait.ge [sflag:s19], $0x13C0  }
0x17: {  	p0 =	sne.s32 s29, s17;
	[sflag:s19] =	ssyncset.done $0x0  }
.Ltmp1:
0x18: {  	[sflag:s19] =	ssyncadd.s32 $0xFFFFEC40;
	(pc) =	sbr.rel @!p0 .LBB2_7-.Ltmp1, $4  }
0x19: {  	[hbm:s16], [sflag:s30] =	dma.local [spmem:s2], $0x4F  }
0x1a: {  	_ =	swait.ge [sflag:s19], $0x4F  }
0x1b: {  	[sflag:s19] =	ssyncset.done $0x0  }
0x1c: {  	[sflag:s19] =	ssyncadd.s32 $0xFFFFFFB1  }
.LBB2_1:
0x1d: {  	s0 =	simm.s32 $0x7CE0  }
0x1e: {  	[tilespmem:s0], [sflag:$0x2] =	stream.linear.gather [hbm4b:s9+s5], $0x20, $0x38;
	[tilespmem:$0x13EF8] =	vst v63  }
0x1f: {  	_ =	swait.ge [sflag:s19], $0x20  }
0x20: {  	[sflag:s19] =	ssyncset.done $0x0  }
0x21: {  	[sflag:s19] =	ssyncadd.s32 $0xFFFFFFE0  }
0x22: {  	v0 =	vld [tilespmem:$0x7CE0]  }
0x23: {  	v1 =	vld [tilespmem:$0x7CF0];
	_ =	sdelay $0x3  }
0x24: {  	(v2sf) =	vpush v0, $0x0  }
0x25: {  	(v2sf) =	vpush v1, $0x0;
	_ =	sdelay $0xc  }
0x26: {  	[tilespmem:s5], [sflag:$0x2] =	stream.linear.gather [hbm4b:s10+s5], $0x29A0, $0x38;
	[tilespmem:$0x13EF8] =	vst v63  }
0x27: {  	s18 =	spop (v2sf)  }
0x28: {  	s1 =	spop (v2sf)  }
0x29: {  	_ =	swait.ge [sflag:s19], $0x29A0  }
0x2a: {  	[sflag:s19] =	ssyncset.done $0x0  }
0x2b: {  	s2 =	simm.s32 $0x29A0;
	[sflag:s19] =	ssyncadd.s32 $0xFFFFD660  }
0x2c: {  	[tilespmem:s2], [sflag:$0x2] =	stream.linear.gather [hbm4b:s11+s5], $0x29A0, $0x38;
	[tilespmem:$0x13EF8] =	vst v63  }
0x2d: {  	_ =	swait.ge [sflag:s19], $0x29A0  }
0x2e: {  	[sflag:s19] =	ssyncset.done $0x0  }
0x2f: {  	[sflag:s19] =	ssyncadd.s32 $0xFFFFD660  }
0x30: {  	[tilespmem:s22], [sflag:$0x2] =	stream.linear.gather [hbm4b:s12+s5], $0x29A0, $0x38;
	[tilespmem:$0x13EF8] =	vst v63  }
0x31: {  	s31 =	sshrl.u32 s13, $0x3;
	s0 =	sadd.s32 $0x7F, s18;
	_ =	swait.ge [sflag:s19], $0x29A0  }
0x32: {  	p0 =	slt.s32 s0, $0x1;
	s21 =	sand.u32 $0x7F, s0;
	[sflag:s19] =	ssyncset.done $0x0  }
0x33: {  	p1 =	sne.s32 s21, $0x0;
	s21 =	stileid.u32;
	[sflag:s19] =	ssyncadd.s32 $0xFFFFD660  }
0x34: {  	p0 =	por !p0, !p1;
	s2 =	sshra.s32 s0, $0x1F;
	s18 =	rddreg [dreg:$0x1]  }
0x35: {  	[tilespmem:s23], [sflag:$0x2] =	stream.linear.gather [hbm4b:s18+s5], $0x80, $0x38;
	[tilespmem:$0x13EF8] =	vst v63  }
0x36: {  	p0 =	por !p0, !p0;
	s2 =	sshrl.u32 s2, $0x19;
	_ =	swait.ge [sflag:s19], $0x80  }
0x37: {  	s0 =	sadd.s32 s2, s0;
	s18 =	sshll.u32 s21, $0x6;
	[sflag:s19] =	ssyncset.done $0x0  }
0x38: {  	s30 =	sor.u32 $0x1C02, s18;
	s18 =	simm.s32 $0x1;
	[sflag:s19] =	ssyncadd.s32 $0xFFFFFF80  }
0x39: {  	[spmem:s31], [sflag:s30] =	dma.local [hbm:s7], $0x13C0  }
0x3a: {  	s0 =	sshra.s32 s0, $0x7;
	s18 =	simm.s32 @!p0 $0x0;
	_ =	swait.ge [sflag:s19], $0x13C0  }
0x3b: {  	s18 =	ssub.s32 s0, s18;
	[sflag:s19] =	ssyncset.done $0x0  }
0x3c: {  	s2 =	sshrl.u32 s14, $0x3;
	p0 =	sgt.s32 s18, $0x0;
	[sflag:s19] =	ssyncadd.s32 $0xFFFFEC40  }
0x3d: {  	[spmem:s2], [sflag:s30] =	dma.local [hbm:s8], $0x4F  }
.Ltmp2:
0x3e: {  	_ =	swait.ge [sflag:s19], $0x4F;
	(pc) =	sbr.rel @!p0 .LBB2_2-.Ltmp2, $4  }
0x3f: {  	[sflag:s19] =	ssyncset.done $0x0  }
0x40: {  	[sflag:s19] =	ssyncadd.s32 $0xFFFFFFB1  }
0x41: {  	[bflag:$0x0] =	sbarrier.arrive $0xFFFF  }
0x42: {  	s0 =	simm.s32 $0x29E0  }
0x43: {  	v0 =	vld [tilespmem:s0+$0xFFFFFFC0];
	_ =	sdelay $0x4  }
0x44: {  	[tilespmem:$0x7D00] =	vst v0  }
0x45: {  	v0 =	vld [tilespmem:s0+$0xFFFFFFD0];
	_ =	sdelay $0x4  }
0x46: {  	[tilespmem:$0x7D10] =	vst v0  }
0x47: {  	v0 =	vld [tilespmem:s0+$0xFFFFFFE0];
	_ =	sdelay $0x4  }
0x48: {  	[tilespmem:$0x7D20] =	vst v0  }
0x49: {  	v0 =	vld [tilespmem:s0+$0xFFFFFFF0];
	_ =	sdelay $0x4  }
0x4a: {  	[tilespmem:$0x7D30] =	vst v0  }
0x4b: {  	v0 =	vld [tilespmem:s0+$0x0];
	_ =	sdelay $0x4  }
0x4c: {  	[tilespmem:$0x7D40] =	vst v0  }
0x4d: {  	v0 =	vld [tilespmem:s0+$0x10];
	_ =	sdelay $0x4  }
0x4e: {  	[tilespmem:$0x7D50] =	vst v0  }
0x4f: {  	v0 =	vld [tilespmem:s0+$0x20];
	_ =	sdelay $0x4  }
0x50: {  	[tilespmem:$0x7D60] =	vst v0  }
0x51: {  	v0 =	vld [tilespmem:s0+$0x30];
	_ =	sdelay $0x4  }
0x52: {  	[tilespmem:$0x7D70] =	vst v0  }
0x53: {  	[tilespmem:s25], [sflag:$0x1] =	stream.indirect.gather [hbm4b:s6+s24], $0x40, s5, s24, $0xb8;
	[tilespmem:$0x13EF8] =	vst v63  }
0x54: {  	p0 =	seq.s32 s18, $0x1;
	_ =	swait.ge [sflag:s20], $0x2000  }
.Ltmp3:
0x55: {  	[sflag:s20] =	ssyncset.done $0x0;
	(pc) =	sbr.rel @p0 .LBB2_10-.Ltmp3, $4  }
0x56: {  	[sflag:s20] =	ssyncadd.s32 $0xFFFFE000  }
0x57: {  	[spmem:s3] =	stream.indirect.scatter.add.f32 [tilespmem:s25], [sflag:$0x2], $0x40, s26, s24, $0xb8;
	[tilespmem:$0x13EF8] =	vst v63  }
0x58: {  	_ =	swait.ge [sflag:s19], $0x2000  }
0x59: {  	s18 =	sadd.s32 $0xFFFFFFFF, s18;
	s21 =	simm.s32 $0x0;
	[sflag:s19] =	ssyncset.done $0x0  }
.LBB2_9:
0x5a: {  	[sflag:s19] =	ssyncadd.s32 $0xFFFFE000;
	s21 =	sadd.s32 $0x80, s21;
	s0 =	sadd.s32 $0x80, s0  }
0x5b: {  	p0 =	seq.s32 s18, $0x1;
	s18 =	sadd.s32 $0xFFFFFFFF, s18;
	v0 =	vld [tilespmem:s0+$0xFFFFFFC0];
	_ =	sdelay $0x4  }
0x5c: {  	[tilespmem:$0x7D00] =	vst v0  }
0x5d: {  	v0 =	vld [tilespmem:s0+$0xFFFFFFD0];
	_ =	sdelay $0x4  }
0x5e: {  	[tilespmem:$0x7D10] =	vst v0  }
0x5f: {  	v0 =	vld [tilespmem:s0+$0xFFFFFFE0];
	_ =	sdelay $0x4  }
0x60: {  	[tilespmem:$0x7D20] =	vst v0  }
0x61: {  	v0 =	vld [tilespmem:s0+$0xFFFFFFF0];
	_ =	sdelay $0x4  }
0x62: {  	[tilespmem:$0x7D30] =	vst v0  }
0x63: {  	v0 =	vld [tilespmem:s0+$0x0];
	_ =	sdelay $0x4  }
0x64: {  	[tilespmem:$0x7D40] =	vst v0  }
0x65: {  	v0 =	vld [tilespmem:s0+$0x10];
	_ =	sdelay $0x4  }
0x66: {  	[tilespmem:$0x7D50] =	vst v0  }
0x67: {  	v0 =	vld [tilespmem:s0+$0x20];
	_ =	sdelay $0x4  }
0x68: {  	[tilespmem:$0x7D60] =	vst v0  }
0x69: {  	v0 =	vld [tilespmem:s0+$0x30];
	_ =	sdelay $0x4  }
0x6a: {  	[tilespmem:$0x7D70] =	vst v0  }
0x6b: {  	[tilespmem:s25], [sflag:$0x1] =	stream.indirect.gather [hbm4b:s6+s24], $0x40, s21, s24, $0xb8;
	[tilespmem:$0x13EF8] =	vst v63  }
0x6c: {  	_ =	swait.ge [sflag:s20], $0x2000  }
.Ltmp4:
0x6d: {  	[sflag:s20] =	ssyncset.done $0x0;
	(pc) =	sbr.rel @!p0 .LBB2_9-.Ltmp4, $4  }
0x6e: {  	[sflag:s20] =	ssyncadd.s32 $0xFFFFE000  }
0x6f: {  	[spmem:s3] =	stream.indirect.scatter.add.f32 [tilespmem:s25], [sflag:$0x2], $0x40, s26, s24, $0xb8;
	[tilespmem:$0x13EF8] =	vst v63  }
0x70: {  	_ =	swait.ge [sflag:s19], $0x2000  }
0x71: {  	[sflag:s19] =	ssyncset.done $0x0  }
.LBB2_10:
0x72: {  	[sflag:s19] =	ssyncadd.s32 $0xFFFFE000  }
.LBB2_2:
0x73: {  	s0 =	sadd.s32 $0x7F, s1  }
0x74: {  	s1 =	sand.u32 $0x7F, s0  }
0x75: {  	s18 =	sshra.s32 s0, $0x1F;
	p0 =	slt.s32 s0, $0x1;
	p1 =	sne.s32 s1, $0x0  }
0x76: {  	s21 =	sshrl.u32 s18, $0x19;
	p0 =	por !p0, !p1  }
0x77: {  	s1 =	simm.s32 $0x1;
	s0 =	sadd.s32 s21, s0;
	p0 =	por !p0, !p0  }
0x78: {  	s0 =	sshra.s32 s0, $0x7;
	s1 =	simm.s32 @!p0 $0x0  }
0x79: {  	s1 =	ssub.s32 s0, s1  }
0x7a: {  	p0 =	sgt.s32 s1, $0x0  }
.Ltmp5:
0x7b: {  	_ = 	snop;
	(pc) =	sbr.rel @!p0 .LBB2_6-.Ltmp5, $2  }
0x7c: {  	_ =	sdelay $0x2  }
0x7d: {  	s0 =	simm.s32 $0x5380  }
0x7e: {  	v0 =	vld [tilespmem:s0+$0xFFFFFFC0];
	_ =	sdelay $0x4  }
0x7f: {  	[tilespmem:$0x7D80] =	vst v0  }
0x80: {  	v0 =	vld [tilespmem:s0+$0xFFFFFFD0];
	_ =	sdelay $0x4  }
0x81: {  	[tilespmem:$0x7D90] =	vst v0  }
0x82: {  	v0 =	vld [tilespmem:s0+$0xFFFFFFE0];
	_ =	sdelay $0x4  }
0x83: {  	[tilespmem:$0x7DA0] =	vst v0  }
0x84: {  	v0 =	vld [tilespmem:s0+$0xFFFFFFF0];
	_ =	sdelay $0x4  }
0x85: {  	[tilespmem:$0x7DB0] =	vst v0  }
0x86: {  	v0 =	vld [tilespmem:s0+$0x0];
	_ =	sdelay $0x4  }
0x87: {  	[tilespmem:$0x7DC0] =	vst v0  }
0x88: {  	v0 =	vld [tilespmem:s0+$0x10];
	_ =	sdelay $0x4  }
0x89: {  	[tilespmem:$0x7DD0] =	vst v0  }
0x8a: {  	v0 =	vld [tilespmem:s0+$0x20];
	_ =	sdelay $0x4  }
0x8b: {  	[tilespmem:$0x7DE0] =	vst v0  }
0x8c: {  	v0 =	vld [tilespmem:s0+$0x30];
	_ =	sdelay $0x2  }
0x8d: {  	p0 =	sne.s32 s1, $0x1  }
.Ltmp6:
0x8e: {  	_ = 	snop;
	(pc) =	sbr.rel @!p0 .LBB2_5-.Ltmp6, $4  }
0x8f: {  	[tilespmem:$0x7DF0] =	vst v0  }
0x90: {  	[spmem:s4] =	stream.indirect.scatter.add.f32 [tilespmem:s23], [sflag:$0x2], $0x1, s28, s24, $0xb8;
	[tilespmem:$0x13EF8] =	vst v63  }
0x91: {  	_ =	swait.ge [sflag:s19], $0x80  }
0x92: {  	s1 =	sadd.s32 $0xFFFFFFFF, s1;
	[sflag:s19] =	ssyncset.done $0x0  }
.LBB2_4:
0x93: {  	p0 =	sne.s32 s1, $0x1;
	[sflag:s19] =	ssyncadd.s32 $0xFFFFFF80;
	s0 =	sadd.s32 $0x80, s0  }
0x94: {  	s1 =	sadd.s32 $0xFFFFFFFF, s1;
	v0 =	vld [tilespmem:s0+$0xFFFFFFC0];
	_ =	sdelay $0x4  }
0x95: {  	[tilespmem:$0x7D80] =	vst v0  }
0x96: {  	v0 =	vld [tilespmem:s0+$0xFFFFFFD0];
	_ =	sdelay $0x4  }
0x97: {  	[tilespmem:$0x7D90] =	vst v0  }
0x98: {  	v0 =	vld [tilespmem:s0+$0xFFFFFFE0];
	_ =	sdelay $0x4  }
0x99: {  	[tilespmem:$0x7DA0] =	vst v0  }
0x9a: {  	v0 =	vld [tilespmem:s0+$0xFFFFFFF0];
	_ =	sdelay $0x4  }
0x9b: {  	[tilespmem:$0x7DB0] =	vst v0  }
0x9c: {  	v0 =	vld [tilespmem:s0+$0x0];
	_ =	sdelay $0x4  }
0x9d: {  	[tilespmem:$0x7DC0] =	vst v0  }
0x9e: {  	v0 =	vld [tilespmem:s0+$0x10];
	_ =	sdelay $0x4  }
0x9f: {  	[tilespmem:$0x7DD0] =	vst v0  }
0xa0: {  	v0 =	vld [tilespmem:s0+$0x20];
	_ =	sdelay $0x4  }
0xa1: {  	[tilespmem:$0x7DE0] =	vst v0  }
0xa2: {  	v0 =	vld [tilespmem:s0+$0x30];
	_ =	sdelay $0x3  }
.Ltmp7:
0xa3: {  	(pc) =	sbr.rel @p0 .LBB2_4-.Ltmp7, $4  }
0xa4: {  	[tilespmem:$0x7DF0] =	vst v0  }
0xa5: {  	[spmem:s4] =	stream.indirect.scatter.add.f32 [tilespmem:s23], [sflag:$0x2], $0x1, s28, s24, $0xb8;
	[tilespmem:$0x13EF8] =	vst v63  }
0xa6: {  	_ =	swait.ge [sflag:s19], $0x80  }
0xa7: {  	[sflag:s19] =	ssyncset.done $0x0  }
.Ltmp8:
0xa8: {  	_ = 	snop;
	(pc) =	sbr.rel .LBB2_5-.Ltmp8, $1  }
0xa9: {  	_ =	sdelay $0x3  }
.LBB2_7:
0xaa: {  	_ =	sfence.sel $0x180000  }
0xab: {  	[bflag:$0x0] =	sbarrier.arrive $0xFFFF  }
0xac: {  	_ =	strace $0x9000004A  }
0xad: {  	s0 =	stileid.u32;
	[bflag:$0x2] =	sbarrier.arrive $0xFFFF  }
0xae: {  	p0 =	sne.s32 s0, $0x0;
	s0 =	rddreg [dreg:$0x4]  }
0xaf: {  	s0 =	sadd.s32 @!p0 $0x100000, s0  }
0xb0: {  	[sflag:s0] =	ssyncadd.tile.s32 @!p0 $0x1;
	_ =	shalt  }
.Lfunc_end2:
_tile_overlayer_lowered:
.L_overlay_start_2:
0xb1: {  	(tag) =	ssettag $0x2  }
0xb2: {  	s0 =	rddreg [dreg:$0x0];
	s2 =	stileid.u32  }
0xb3: {  	s1 =	rddreg [dreg:$0x1];
	p0 =	sne.s32 s2, $0x0  }
0xb4: {  	s3 =	rddreg [dreg:$0x2];
	[bflag:$0x3] =	sbarrier.arrive $0xFFFF;
	s2 =	simm.s32 @!p0 $0x1C02  }
0xb5: {  	[timem:s3], [sflag:s2] =	dma.local @!p0 [hbm:s0], s1  }
0xb6: {  	s0 =	simm.s32 @!p0 $0x2  }
0xb7: {  	_ =	swait.ge @!p0 [sflag:s0], s1  }
0xb8: {  	s1 =	ssub.s32 @!p0 $0x0, s1;
	[sflag:s0] =	ssyncset.done @!p0 $0x0  }
0xb9: {  	[sflag:s0] =	ssyncadd.s32 @!p0 s1  }
0xba: {  	[bflag:$0x3] =	sbarrier.arrive $0xFFFF  }
0xbb: {  	_ =	shalt  }

</sc_bundles>
